<compile_context>
chip_gen: v7x
topology: tpu7x:2x2x1
jax: 0.10.2.dev20260603
libtpu: 0.0.44.dev20260713+nightly
codegen_flags: <defaults>
</compile_context>

<pallas_src>
import functools

import jax
import jax.numpy as jnp
from jax import lax
from jax.experimental import pallas as pl
from jax.experimental.pallas import tpu as pltpu
from jax.experimental.pallas import tpu_sc as plsc

B, L, D = 4096, 200, 128
V_TOK, V_POS, V_TYP = 13, 200, 2
V_FUSED = V_TOK * V_POS * V_TYP
FT = 5248
N = B * L
EPS = 1e-5

NC, NS = 2, 16
NW = NC * NS
PER_W = N // NW
CHUNK = 128
NBUF = 3
NCHUNK = PER_W // CHUNK
NGRP = NCHUNK // NBUF
TAIL = NCHUNK - NBUF * NGRP
ROWS_PT = FT // NS


def _prep_body(tok_ref, pos_ref, typ_ref, tok_t, pos_t, typ_t,
               gamma_ref, beta_ref, idx_ref, fused_ref):
    idx_ref[:] = (tok_ref[:] * (V_POS * V_TYP) + pos_ref[:] * V_TYP
                  + typ_ref[:])

    @pl.when(pl.program_id(0) == 0)
    def _():
        pos2 = jnp.broadcast_to(pos_t[:][:, None, :],
                                (V_POS, V_TYP, D)).reshape(V_POS * V_TYP, D)
        e = jnp.concatenate([pos2] * (V_TOK + 1), axis=0)[:FT]
        tok_full = jnp.broadcast_to(tok_t[:][:, None, :],
                                    (V_TOK, V_POS * V_TYP, D)
                                    ).reshape(V_FUSED, D)
        e = e + jnp.concatenate(
            [tok_full, jnp.zeros((FT - V_FUSED, D), jnp.float32)], axis=0)
        jd = lax.broadcasted_iota(jnp.int32, (FT, D), 0)
        e = e + jnp.where(jd % V_TYP == 0, typ_t[0:1, :], typ_t[1:2, :])
        mean = jnp.mean(e, axis=1, keepdims=True)
        cen = e - mean
        var = jnp.mean(cen * cen, axis=1, keepdims=True)
        normed = cen * lax.rsqrt(var + EPS)
        fused_ref[:] = normed * gamma_ref[:] + beta_ref[:]


def _gather_body(idx_hbm, fused_hbm, out_hbm, idx_all, rows, fused_sh,
                 g0, g1, g2, s0, s1, s2):
    gsem = [g0, g1, g2]
    ssem = [s0, s1, s2]
    sid = lax.axis_index("s")
    wid = sid * NC + lax.axis_index("c")
    base = wid * PER_W

    hidx = pltpu.async_copy(idx_hbm.at[pl.ds(base, PER_W)], idx_all, g0)
    pltpu.sync_copy(fused_hbm.at[pl.ds(sid * ROWS_PT, ROWS_PT)],
                    fused_sh.at[pl.ds(sid * ROWS_PT, ROWS_PT)])
    hidx.wait()
    plsc.subcore_barrier()

    def do_group(g, first):
        handles = []
        for b in range(NBUF):
            c = g * NBUF + b
            if not first:
                pltpu.make_async_copy(
                    rows.at[b], out_hbm.at[pl.ds(base + c * CHUNK, CHUNK)],
                    ssem[b]).wait()
            handles.append(pltpu.async_copy(
                fused_sh.at[idx_all.at[pl.ds(c * CHUNK, CHUNK)]],
                rows.at[b], gsem[b]))
        for b in range(NBUF):
            c = g * NBUF + b
            handles[b].wait()
            pltpu.async_copy(rows.at[b],
                             out_hbm.at[pl.ds(base + c * CHUNK, CHUNK)],
                             ssem[b])

    do_group(0, True)

    def body(g, carry):
        do_group(g, False)
        return carry

    lax.fori_loop(1, NGRP, body, 0)
    handles = []
    for b in range(TAIL):
        c = NGRP * NBUF + b
        pltpu.make_async_copy(
            rows.at[b], out_hbm.at[pl.ds(base + c * CHUNK, CHUNK)],
            ssem[b]).wait()
        handles.append(pltpu.async_copy(
            fused_sh.at[idx_all.at[pl.ds(c * CHUNK, CHUNK)]],
            rows.at[b], gsem[b]))
    for b in range(TAIL):
        c = NGRP * NBUF + b
        handles[b].wait()
        pltpu.async_copy(rows.at[b],
                         out_hbm.at[pl.ds(base + c * CHUNK, CHUNK)],
                         ssem[b])
    for b in range(NBUF):
        pltpu.make_async_copy(
            rows.at[b], out_hbm.at[pl.ds(base + b * CHUNK, CHUNK)],
            ssem[b]).wait()


@functools.cache
def _gather_call():
    return pl.kernel(
        _gather_body,
        out_type=jax.ShapeDtypeStruct((N, D), jnp.float32),
        mesh=plsc.VectorSubcoreMesh(core_axis_name="c", subcore_axis_name="s",
                                    num_cores=NC, num_subcores=NS),
        scratch_types=[
            pltpu.VMEM((PER_W,), jnp.int32),
            pltpu.VMEM((NBUF, CHUNK, D), jnp.float32),
            pltpu.VMEM_SHARED((FT, D), jnp.float32),
        ] + [pltpu.SemaphoreType.DMA] * (2 * NBUF),
    )


def kernel(input_ids, position_ids, types_ids, tok_table, pos_table,
           typ_table, ln_gamma, ln_beta):
    blk = 512
    full = lambda i: (0, 0)
    idx2d, fused = pl.pallas_call(
        _prep_body,
        grid=(B // blk,),
        in_specs=[pl.BlockSpec((blk, L), lambda i: (i, 0))] * 3 + [
            pl.BlockSpec((V_TOK, D), full),
            pl.BlockSpec((V_POS, D), full),
            pl.BlockSpec((V_TYP, D), full),
            pl.BlockSpec((1, D), full),
            pl.BlockSpec((1, D), full),
        ],
        out_specs=[
            pl.BlockSpec((blk, L), lambda i: (i, 0)),
            pl.BlockSpec((FT, D), full),
        ],
        out_shape=[
            jax.ShapeDtypeStruct((B, L), jnp.int32),
            jax.ShapeDtypeStruct((FT, D), jnp.float32),
        ],
    )(input_ids.astype(jnp.int32), position_ids.astype(jnp.int32),
      types_ids.astype(jnp.int32), tok_table, pos_table, typ_table,
      ln_gamma.reshape(1, D), ln_beta.reshape(1, D))

    out = _gather_call()(idx2d.reshape(N), fused)
    return out.reshape(B, L, D)

# --- scband reference (transcript-rebuilt; emitter-appended) ---
"""Pipeline reference for scband-scoring-embedding-30485677867806 (READ-ONLY COPY).

The authoritative reference and input builder live on the scoring server;
editing this copy changes nothing except your own understanding.
"""

import jax, jax.numpy as jnp
import numpy as np

B, L, D = 4096, 200, 128
VOCAB_TOK, VOCAB_POS, VOCAB_TYP = 13, 200, 2
NORM_SCALAR = 1.0
EPS = 1e-5

def setup_inputs(seed: int = 0) -> dict:
    key = jax.random.key(seed)
    k1, k2, k3, k4, k5, k6 = jax.random.split(key, 6)
    input_ids = jax.random.randint(k1, (B, L), 0, VOCAB_TOK, dtype=jnp.int64 if jax.config.jax_enable_x64 else jnp.int32)
    position_ids = jax.random.randint(k2, (B, L), 0, VOCAB_POS, dtype=jnp.int64 if jax.config.jax_enable_x64 else jnp.int32)
    types_ids = jax.random.randint(k3, (B, L), 0, VOCAB_TYP, dtype=jnp.int64 if jax.config.jax_enable_x64 else jnp.int32)
    tok_table = jax.random.normal(k4, (VOCAB_TOK, D), dtype=jnp.float32) * 0.02
    pos_table = jax.random.normal(k5, (VOCAB_POS, D), dtype=jnp.float32) * 0.02
    typ_table = jax.random.normal(k6, (VOCAB_TYP, D), dtype=jnp.float32) * 0.02
    ln_gamma = jnp.ones((D,), dtype=jnp.float32)
    ln_beta = jnp.zeros((D,), dtype=jnp.float32)
    return {"input_ids": input_ids, "position_ids": position_ids, "types_ids": types_ids,
            "tok_table": tok_table, "pos_table": pos_table, "typ_table": typ_table,
            "ln_gamma": ln_gamma, "ln_beta": ln_beta}

def reference(input_ids, position_ids, types_ids, tok_table, pos_table, typ_table, ln_gamma, ln_beta):
    token_embeddings = jnp.take(tok_table, input_ids, axis=0)
    types_embeddings = jnp.take(typ_table, types_ids, axis=0)
    position_embeddings = jnp.take(pos_table, position_ids, axis=0)
    embeddings = token_embeddings + types_embeddings + position_embeddings
    mean = jnp.mean(embeddings, axis=-1, keepdims=True)
    var = jnp.mean(jnp.square(embeddings - mean), axis=-1, keepdims=True)
    normed = (embeddings - mean) / jnp.sqrt(var + EPS)
    normed = normed * ln_gamma + ln_beta
    return normed * NORM_SCALAR

if __name__ == "__main__":
    import jax
    _d = setup_inputs()
    print(jax.jit(kernel)(*tuple(_d.values())))

</pallas_src>

<mosaic_0001>
#map = affine_map<(d0, d1) -> (0)>
#map1 = affine_map<(d0, d1) -> (0, 0)>
module attributes {stable_mosaic.version = 14 : i64} {
  func.func @_gather_body(%arg0: i32, %arg1: i32, %arg2: memref<819200xi32, #tpu.memory_space<hbm>>, %arg3: memref<5248x128xf32, #tpu.memory_space<hbm>>, %arg4: memref<819200x128xf32, #tpu.memory_space<hbm>>, %arg5: memref<25600xi32, #tpu.memory_space<vmem>>, %arg6: memref<3x128x128xf32, #tpu.memory_space<vmem>>, %arg7: memref<5248x128xf32, #tpu.memory_space<vmem_shared>>, %arg8: memref<!tpu.dma_semaphore, #tpu.memory_space<semaphore_mem>>, %arg9: memref<!tpu.dma_semaphore, #tpu.memory_space<semaphore_mem>>, %arg10: memref<!tpu.dma_semaphore, #tpu.memory_space<semaphore_mem>>, %arg11: memref<!tpu.dma_semaphore, #tpu.memory_space<semaphore_mem>>, %arg12: memref<!tpu.dma_semaphore, #tpu.memory_space<semaphore_mem>>, %arg13: memref<!tpu.dma_semaphore, #tpu.memory_space<semaphore_mem>>) attributes {dimension_semantics = [#tpu.dimension_semantics<core_parallel>, #tpu.dimension_semantics<subcore_parallel>], iteration_bounds = array<i64: 2, 16>, scalar_prefetch = 0 : i64, scratch_operands = 9 : i64, tpu.core_type = #tpu.core_type<sc_vector_subcore>, window_params = [{transform_indices = #map}, {transform_indices = #map1}, {transform_indices = #map1}]} {
    %mul3A = arith.constant 2 : i32
    %mul3A_0 = arith.muli %arg1, %mul3A : i32
    %add3A = arith.addi %mul3A_0, %arg0 : i32
    %mul3A_1 = arith.constant 25600 : i32
    %mul3A_2 = arith.muli %add3A, %mul3A_1 : i32
    %dma_start3A = tpu.memref_slice %arg2[%mul3A_2] : memref<819200xi32, #tpu.memory_space<hbm>> -> memref<25600xi32, #tpu.memory_space<hbm>>
    %dma_start3A_3 = tpu.memref_slice %arg2[%mul3A_2] : memref<819200xi32, #tpu.memory_space<hbm>> -> memref<25600xi32, #tpu.memory_space<hbm>>
    tpu.enqueue_dma source(%dma_start3A_3 : memref<25600xi32, #tpu.memory_space<hbm>>) target(%arg5 : memref<25600xi32, #tpu.memory_space<vmem>>) target_semaphore(%arg8 : memref<!tpu.dma_semaphore, #tpu.memory_space<semaphore_mem>>)
    %mul3A_4 = arith.constant 328 : i32
    %mul3A_5 = arith.muli %arg1, %mul3A_4 : i32
    %mul3A_6 = arith.constant 328 : i32
    %mul3A_7 = arith.muli %arg1, %mul3A_6 : i32
    "tpu.region"() ({
      %run_scoped3A = tpu.sem_alloc : memref<!tpu.dma_semaphore, #tpu.memory_space<semaphore_mem>>
      %dma_start3A_264 = arith.constant 0 : i32
      %dma_start3A_265 = tpu.memref_slice %arg7[%mul3A_7, %dma_start3A_264] : memref<5248x128xf32, #tpu.memory_space<vmem_shared>> -> memref<328x128xf32, #tpu.memory_space<vmem_shared>>
      %dma_start3A_266 = arith.constant 0 : i32
      %dma_start3A_267 = tpu.memref_slice %arg3[%mul3A_5, %dma_start3A_266] : memref<5248x128xf32, #tpu.memory_space<hbm>> -> memref<328x128xf32, #tpu.memory_space<hbm>>
      tpu.enqueue_dma source(%dma_start3A_267 : memref<328x128xf32, #tpu.memory_space<hbm>>) target(%dma_start3A_265 : memref<328x128xf32, #tpu.memory_space<vmem_shared>>) target_semaphore(%run_scoped3A : memref<!tpu.dma_semaphore, #tpu.memory_space<semaphore_mem>>)
      %dma_wait3A_268 = arith.constant 0 : i32
      %dma_wait3A_269 = tpu.memref_slice %arg7[%mul3A_7, %dma_wait3A_268] : memref<5248x128xf32, #tpu.memory_space<vmem_shared>> -> memref<328x128xf32, #tpu.memory_space<vmem_shared>>
      %dma_wait3A_270 = arith.constant 0 : i32
      %dma_wait3A_271 = tpu.memref_slice %arg3[%mul3A_5, %dma_wait3A_270] : memref<5248x128xf32, #tpu.memory_space<hbm>> -> memref<328x128xf32, #tpu.memory_space<hbm>>
      tpu.wait_dma2 semaphore(%run_scoped3A : memref<!tpu.dma_semaphore, #tpu.memory_space<semaphore_mem>>) src(%dma_wait3A_271 : memref<328x128xf32, #tpu.memory_space<hbm>>) dst(%dma_wait3A_269 : memref<328x128xf32, #tpu.memory_space<vmem_shared>>)
      tpu.yield
    }) : () -> ()
    %dma_wait3A = tpu.memref_slice %arg2[%mul3A_2] : memref<819200xi32, #tpu.memory_space<hbm>> -> memref<25600xi32, #tpu.memory_space<hbm>>
    %dma_wait3A_8 = tpu.memref_slice %arg2[%mul3A_2] : memref<819200xi32, #tpu.memory_space<hbm>> -> memref<25600xi32, #tpu.memory_space<hbm>>
    tpu.wait_dma2 semaphore(%arg8 : memref<!tpu.dma_semaphore, #tpu.memory_space<semaphore_mem>>) src(%dma_wait3A_8 : memref<25600xi32, #tpu.memory_space<hbm>>) dst(%arg5 : memref<25600xi32, #tpu.memory_space<vmem>>)
    %barrier3A = arith.constant 0 : index
    tpu.barrier barrier_id(%barrier3A)
    %dma_start3A_9 = arith.constant 0 : i32
    %dma_start3A_10 = arith.constant 0 : i32
    %dma_start3A_11 = arith.constant 0 : i32
    %dma_start3A_12 = tpu.memref_slice %arg6[%dma_start3A_9, %dma_start3A_10, %dma_start3A_11] : memref<3x128x128xf32, #tpu.memory_space<vmem>> -> memref<1x128x128xf32, #tpu.memory_space<vmem>>
    %dma_start3A_13 = tpu.memref_squeeze %dma_start3A_12 : memref<1x128x128xf32, #tpu.memory_space<vmem>> -> memref<128x128xf32, #tpu.memory_space<vmem>>
    %dma_start3A_14 = arith.constant 0 : i32
    %dma_start3A_15 = tpu.memref_slice %arg5[%dma_start3A_14] : memref<25600xi32, #tpu.memory_space<vmem>> -> memref<128xi32, #tpu.memory_space<vmem>>
    %dma_start3A_16 = arith.constant 0 : i32
    %dma_start3A_17 = arith.constant 0 : i32
    %dma_start3A_18 = tpu.memref_slice %arg7[%dma_start3A_16, %dma_start3A_17] : memref<5248x128xf32, #tpu.memory_space<vmem_shared>> -> memref<5248x128xf32, #tpu.memory_space<vmem_shared>>
    tpu.enqueue_indirect_dma source(%dma_start3A_18 : memref<5248x128xf32, #tpu.memory_space<vmem_shared>>) target(%dma_start3A_13 : memref<128x128xf32, #tpu.memory_space<vmem>>) offsets(%dma_start3A_15 : memref<128xi32, #tpu.memory_space<vmem>>) semaphore(%arg8 : memref<!tpu.dma_semaphore, #tpu.memory_space<semaphore_mem>>)
    %dma_start3A_19 = arith.constant 1 : i32
    %dma_start3A_20 = arith.constant 0 : i32
    %dma_start3A_21 = arith.constant 0 : i32
    %dma_start3A_22 = tpu.memref_slice %arg6[%dma_start3A_19, %dma_start3A_20, %dma_start3A_21] : memref<3x128x128xf32, #tpu.memory_space<vmem>> -> memref<1x128x128xf32, #tpu.memory_space<vmem>>
    %dma_start3A_23 = tpu.memref_squeeze %dma_start3A_22 : memref<1x128x128xf32, #tpu.memory_space<vmem>> -> memref<128x128xf32, #tpu.memory_space<vmem>>
    %dma_start3A_24 = arith.constant 128 : i32
    %dma_start3A_25 = tpu.memref_slice %arg5[%dma_start3A_24] : memref<25600xi32, #tpu.memory_space<vmem>> -> memref<128xi32, #tpu.memory_space<vmem>>
    %dma_start3A_26 = arith.constant 0 : i32
    %dma_start3A_27 = arith.constant 0 : i32
    %dma_start3A_28 = tpu.memref_slice %arg7[%dma_start3A_26, %dma_start3A_27] : memref<5248x128xf32, #tpu.memory_space<vmem_shared>> -> memref<5248x128xf32, #tpu.memory_space<vmem_shared>>
    tpu.enqueue_indirect_dma source(%dma_start3A_28 : memref<5248x128xf32, #tpu.memory_space<vmem_shared>>) target(%dma_start3A_23 : memref<128x128xf32, #tpu.memory_space<vmem>>) offsets(%dma_start3A_25 : memref<128xi32, #tpu.memory_space<vmem>>) semaphore(%arg9 : memref<!tpu.dma_semaphore, #tpu.memory_space<semaphore_mem>>)
    %dma_start3A_29 = arith.constant 2 : i32
    %dma_start3A_30 = arith.constant 0 : i32
    %dma_start3A_31 = arith.constant 0 : i32
    %dma_start3A_32 = tpu.memref_slice %arg6[%dma_start3A_29, %dma_start3A_30, %dma_start3A_31] : memref<3x128x128xf32, #tpu.memory_space<vmem>> -> memref<1x128x128xf32, #tpu.memory_space<vmem>>
    %dma_start3A_33 = tpu.memref_squeeze %dma_start3A_32 : memref<1x128x128xf32, #tpu.memory_space<vmem>> -> memref<128x128xf32, #tpu.memory_space<vmem>>
    %dma_start3A_34 = arith.constant 256 : i32
    %dma_start3A_35 = tpu.memref_slice %arg5[%dma_start3A_34] : memref<25600xi32, #tpu.memory_space<vmem>> -> memref<128xi32, #tpu.memory_space<vmem>>
    %dma_start3A_36 = arith.constant 0 : i32
    %dma_start3A_37 = arith.constant 0 : i32
    %dma_start3A_38 = tpu.memref_slice %arg7[%dma_start3A_36, %dma_start3A_37] : memref<5248x128xf32, #tpu.memory_space<vmem_shared>> -> memref<5248x128xf32, #tpu.memory_space<vmem_shared>>
    tpu.enqueue_indirect_dma source(%dma_start3A_38 : memref<5248x128xf32, #tpu.memory_space<vmem_shared>>) target(%dma_start3A_33 : memref<128x128xf32, #tpu.memory_space<vmem>>) offsets(%dma_start3A_35 : memref<128xi32, #tpu.memory_space<vmem>>) semaphore(%arg10 : memref<!tpu.dma_semaphore, #tpu.memory_space<semaphore_mem>>)
    %dma_wait3A_39 = arith.constant 0 : i32
    %dma_wait3A_40 = arith.constant 0 : i32
    %dma_wait3A_41 = arith.constant 0 : i32
    %dma_wait3A_42 = tpu.memref_slice %arg6[%dma_wait3A_39, %dma_wait3A_40, %dma_wait3A_41] : memref<3x128x128xf32, #tpu.memory_space<vmem>> -> memref<1x128x128xf32, #tpu.memory_space<vmem>>
    %dma_wait3A_43 = tpu.memref_squeeze %dma_wait3A_42 : memref<1x128x128xf32, #tpu.memory_space<vmem>> -> memref<128x128xf32, #tpu.memory_space<vmem>>
    %dma_wait3A_44 = arith.constant 0 : i32
    %dma_wait3A_45 = tpu.memref_slice %arg5[%dma_wait3A_44] : memref<25600xi32, #tpu.memory_space<vmem>> -> memref<128xi32, #tpu.memory_space<vmem>>
    %dma_wait3A_46 = arith.constant 0 : i32
    %dma_wait3A_47 = arith.constant 0 : i32
    %dma_wait3A_48 = tpu.memref_slice %arg7[%dma_wait3A_46, %dma_wait3A_47] : memref<5248x128xf32, #tpu.memory_space<vmem_shared>> -> memref<5248x128xf32, #tpu.memory_space<vmem_shared>>
    tpu.wait_indirect_dma semaphore(%arg8 : memref<!tpu.dma_semaphore, #tpu.memory_space<semaphore_mem>>) src(%dma_wait3A_48 : memref<5248x128xf32, #tpu.memory_space<vmem_shared>>) dst(%dma_wait3A_43 : memref<128x128xf32, #tpu.memory_space<vmem>>)
    %add3A_49 = arith.constant 0 : i32
    %add3A_50 = arith.addi %mul3A_2, %add3A_49 : i32
    %dma_start3A_51 = arith.constant 0 : i32
    %dma_start3A_52 = arith.constant 0 : i32
    %dma_start3A_53 = arith.constant 0 : i32
    %dma_start3A_54 = tpu.memref_slice %arg6[%dma_start3A_51, %dma_start3A_52, %dma_start3A_53] : memref<3x128x128xf32, #tpu.memory_space<vmem>> -> memref<1x128x128xf32, #tpu.memory_space<vmem>>
    %dma_start3A_55 = tpu.memref_squeeze %dma_start3A_54 : memref<1x128x128xf32, #tpu.memory_space<vmem>> -> memref<128x128xf32, #tpu.memory_space<vmem>>
    %dma_start3A_56 = arith.constant 0 : i32
    %dma_start3A_57 = tpu.memref_slice %arg4[%add3A_50, %dma_start3A_56] : memref<819200x128xf32, #tpu.memory_space<hbm>> -> memref<128x128xf32, #tpu.memory_space<hbm>>
    %dma_start3A_58 = arith.constant 0 : i32
    %dma_start3A_59 = tpu.memref_slice %arg4[%add3A_50, %dma_start3A_58] : memref<819200x128xf32, #tpu.memory_space<hbm>> -> memref<128x128xf32, #tpu.memory_space<hbm>>
    %dma_start3A_60 = arith.constant 0 : i32
    %dma_start3A_61 = arith.constant 0 : i32
    %dma_start3A_62 = tpu.memref_slice %arg6[%dma_start3A_51, %dma_start3A_60, %dma_start3A_61] : memref<3x128x128xf32, #tpu.memory_space<vmem>> -> memref<1x128x128xf32, #tpu.memory_space<vmem>>
    %dma_start3A_63 = tpu.memref_squeeze %dma_start3A_62 : memref<1x128x128xf32, #tpu.memory_space<vmem>> -> memref<128x128xf32, #tpu.memory_space<vmem>>
    tpu.enqueue_dma source(%dma_start3A_63 : memref<128x128xf32, #tpu.memory_space<vmem>>) target(%dma_start3A_59 : memref<128x128xf32, #tpu.memory_space<hbm>>) target_semaphore(%arg11 : memref<!tpu.dma_semaphore, #tpu.memory_space<semaphore_mem>>)
    %dma_wait3A_64 = arith.constant 1 : i32
    %dma_wait3A_65 = arith.constant 0 : i32
    %dma_wait3A_66 = arith.constant 0 : i32
    %dma_wait3A_67 = tpu.memref_slice %arg6[%dma_wait3A_64, %dma_wait3A_65, %dma_wait3A_66] : memref<3x128x128xf32, #tpu.memory_space<vmem>> -> memref<1x128x128xf32, #tpu.memory_space<vmem>>
    %dma_wait3A_68 = tpu.memref_squeeze %dma_wait3A_67 : memref<1x128x128xf32, #tpu.memory_space<vmem>> -> memref<128x128xf32, #tpu.memory_space<vmem>>
    %dma_wait3A_69 = arith.constant 128 : i32
    %dma_wait3A_70 = tpu.memref_slice %arg5[%dma_wait3A_69] : memref<25600xi32, #tpu.memory_space<vmem>> -> memref<128xi32, #tpu.memory_space<vmem>>
    %dma_wait3A_71 = arith.constant 0 : i32
    %dma_wait3A_72 = arith.constant 0 : i32
    %dma_wait3A_73 = tpu.memref_slice %arg7[%dma_wait3A_71, %dma_wait3A_72] : memref<5248x128xf32, #tpu.memory_space<vmem_shared>> -> memref<5248x128xf32, #tpu.memory_space<vmem_shared>>
    tpu.wait_indirect_dma semaphore(%arg9 : memref<!tpu.dma_semaphore, #tpu.memory_space<semaphore_mem>>) src(%dma_wait3A_73 : memref<5248x128xf32, #tpu.memory_space<vmem_shared>>) dst(%dma_wait3A_68 : memref<128x128xf32, #tpu.memory_space<vmem>>)
    %add3A_74 = arith.constant 128 : i32
    %add3A_75 = arith.addi %mul3A_2, %add3A_74 : i32
    %dma_start3A_76 = arith.constant 1 : i32
    %dma_start3A_77 = arith.constant 0 : i32
    %dma_start3A_78 = arith.constant 0 : i32
    %dma_start3A_79 = tpu.memref_slice %arg6[%dma_start3A_76, %dma_start3A_77, %dma_start3A_78] : memref<3x128x128xf32, #tpu.memory_space<vmem>> -> memref<1x128x128xf32, #tpu.memory_space<vmem>>
    %dma_start3A_80 = tpu.memref_squeeze %dma_start3A_79 : memref<1x128x128xf32, #tpu.memory_space<vmem>> -> memref<128x128xf32, #tpu.memory_space<vmem>>
    %dma_start3A_81 = arith.constant 0 : i32
    %dma_start3A_82 = tpu.memref_slice %arg4[%add3A_75, %dma_start3A_81] : memref<819200x128xf32, #tpu.memory_space<hbm>> -> memref<128x128xf32, #tpu.memory_space<hbm>>
    %dma_start3A_83 = arith.constant 0 : i32
    %dma_start3A_84 = tpu.memref_slice %arg4[%add3A_75, %dma_start3A_83] : memref<819200x128xf32, #tpu.memory_space<hbm>> -> memref<128x128xf32, #tpu.memory_space<hbm>>
    %dma_start3A_85 = arith.constant 0 : i32
    %dma_start3A_86 = arith.constant 0 : i32
    %dma_start3A_87 = tpu.memref_slice %arg6[%dma_start3A_76, %dma_start3A_85, %dma_start3A_86] : memref<3x128x128xf32, #tpu.memory_space<vmem>> -> memref<1x128x128xf32, #tpu.memory_space<vmem>>
    %dma_start3A_88 = tpu.memref_squeeze %dma_start3A_87 : memref<1x128x128xf32, #tpu.memory_space<vmem>> -> memref<128x128xf32, #tpu.memory_space<vmem>>
    tpu.enqueue_dma source(%dma_start3A_88 : memref<128x128xf32, #tpu.memory_space<vmem>>) target(%dma_start3A_84 : memref<128x128xf32, #tpu.memory_space<hbm>>) target_semaphore(%arg12 : memref<!tpu.dma_semaphore, #tpu.memory_space<semaphore_mem>>)
    %dma_wait3A_89 = arith.constant 2 : i32
    %dma_wait3A_90 = arith.constant 0 : i32
    %dma_wait3A_91 = arith.constant 0 : i32
    %dma_wait3A_92 = tpu.memref_slice %arg6[%dma_wait3A_89, %dma_wait3A_90, %dma_wait3A_91] : memref<3x128x128xf32, #tpu.memory_space<vmem>> -> memref<1x128x128xf32, #tpu.memory_space<vmem>>
    %dma_wait3A_93 = tpu.memref_squeeze %dma_wait3A_92 : memref<1x128x128xf32, #tpu.memory_space<vmem>> -> memref<128x128xf32, #tpu.memory_space<vmem>>
    %dma_wait3A_94 = arith.constant 256 : i32
    %dma_wait3A_95 = tpu.memref_slice %arg5[%dma_wait3A_94] : memref<25600xi32, #tpu.memory_space<vmem>> -> memref<128xi32, #tpu.memory_space<vmem>>
    %dma_wait3A_96 = arith.constant 0 : i32
    %dma_wait3A_97 = arith.constant 0 : i32
    %dma_wait3A_98 = tpu.memref_slice %arg7[%dma_wait3A_96, %dma_wait3A_97] : memref<5248x128xf32, #tpu.memory_space<vmem_shared>> -> memref<5248x128xf32, #tpu.memory_space<vmem_shared>>
    tpu.wait_indirect_dma semaphore(%arg10 : memref<!tpu.dma_semaphore, #tpu.memory_space<semaphore_mem>>) src(%dma_wait3A_98 : memref<5248x128xf32, #tpu.memory_space<vmem_shared>>) dst(%dma_wait3A_93 : memref<128x128xf32, #tpu.memory_space<vmem>>)
    %add3A_99 = arith.constant 256 : i32
    %add3A_100 = arith.addi %mul3A_2, %add3A_99 : i32
    %dma_start3A_101 = arith.constant 2 : i32
    %dma_start3A_102 = arith.constant 0 : i32
    %dma_start3A_103 = arith.constant 0 : i32
    %dma_start3A_104 = tpu.memref_slice %arg6[%dma_start3A_101, %dma_start3A_102, %dma_start3A_103] : memref<3x128x128xf32, #tpu.memory_space<vmem>> -> memref<1x128x128xf32, #tpu.memory_space<vmem>>
    %dma_start3A_105 = tpu.memref_squeeze %dma_start3A_104 : memref<1x128x128xf32, #tpu.memory_space<vmem>> -> memref<128x128xf32, #tpu.memory_space<vmem>>
    %dma_start3A_106 = arith.constant 0 : i32
    %dma_start3A_107 = tpu.memref_slice %arg4[%add3A_100, %dma_start3A_106] : memref<819200x128xf32, #tpu.memory_space<hbm>> -> memref<128x128xf32, #tpu.memory_space<hbm>>
    %dma_start3A_108 = arith.constant 0 : i32
    %dma_start3A_109 = tpu.memref_slice %arg4[%add3A_100, %dma_start3A_108] : memref<819200x128xf32, #tpu.memory_space<hbm>> -> memref<128x128xf32, #tpu.memory_space<hbm>>
    %dma_start3A_110 = arith.constant 0 : i32
    %dma_start3A_111 = arith.constant 0 : i32
    %dma_start3A_112 = tpu.memref_slice %arg6[%dma_start3A_101, %dma_start3A_110, %dma_start3A_111] : memref<3x128x128xf32, #tpu.memory_space<vmem>> -> memref<1x128x128xf32, #tpu.memory_space<vmem>>
    %dma_start3A_113 = tpu.memref_squeeze %dma_start3A_112 : memref<1x128x128xf32, #tpu.memory_space<vmem>> -> memref<128x128xf32, #tpu.memory_space<vmem>>
    tpu.enqueue_dma source(%dma_start3A_113 : memref<128x128xf32, #tpu.memory_space<vmem>>) target(%dma_start3A_109 : memref<128x128xf32, #tpu.memory_space<hbm>>) target_semaphore(%arg13 : memref<!tpu.dma_semaphore, #tpu.memory_space<semaphore_mem>>)
    %scan3A = arith.constant 0 : i32
    %scan3A_114 = arith.constant 1 : i32
    %scan3A_115 = arith.constant 65 : i32
    %scan3A_116 = arith.addi %scan3A_114, %scan3A_115 : i32
    %scan3A_117 = arith.constant 1 : i32
    scf.for %scan3A_264 = %scan3A_114 to %scan3A_116 step %scan3A_117  : i32 {
      %mul3A_265 = arith.constant 3 : i32
      %mul3A_266 = arith.muli %scan3A_264, %mul3A_265 : i32
      %add3A_267 = arith.constant 0 : i32
      %add3A_268 = arith.addi %mul3A_266, %add3A_267 : i32
      %mul3A_269 = arith.constant 128 : i32
      %mul3A_270 = arith.muli %add3A_268, %mul3A_269 : i32
      %add3A_271 = arith.addi %mul3A_2, %mul3A_270 : i32
      %dma_wait3A_272 = arith.constant 0 : i32
      %dma_wait3A_273 = arith.constant 0 : i32
      %dma_wait3A_274 = arith.constant 0 : i32
      %dma_wait3A_275 = tpu.memref_slice %arg6[%dma_wait3A_272, %dma_wait3A_273, %dma_wait3A_274] : memref<3x128x128xf32, #tpu.memory_space<vmem>> -> memref<1x128x128xf32, #tpu.memory_space<vmem>>
      %dma_wait3A_276 = tpu.memref_squeeze %dma_wait3A_275 : memref<1x128x128xf32, #tpu.memory_space<vmem>> -> memref<128x128xf32, #tpu.memory_space<vmem>>
      %dma_wait3A_277 = arith.constant 0 : i32
      %dma_wait3A_278 = tpu.memref_slice %arg4[%add3A_271, %dma_wait3A_277] : memref<819200x128xf32, #tpu.memory_space<hbm>> -> memref<128x128xf32, #tpu.memory_space<hbm>>
      %dma_wait3A_279 = arith.constant 0 : i32
      %dma_wait3A_280 = tpu.memref_slice %arg4[%add3A_271, %dma_wait3A_279] : memref<819200x128xf32, #tpu.memory_space<hbm>> -> memref<128x128xf32, #tpu.memory_space<hbm>>
      %dma_wait3A_281 = arith.constant 0 : i32
      %dma_wait3A_282 = arith.constant 0 : i32
      %dma_wait3A_283 = tpu.memref_slice %arg6[%dma_wait3A_272, %dma_wait3A_281, %dma_wait3A_282] : memref<3x128x128xf32, #tpu.memory_space<vmem>> -> memref<1x128x128xf32, #tpu.memory_space<vmem>>
      %dma_wait3A_284 = tpu.memref_squeeze %dma_wait3A_283 : memref<1x128x128xf32, #tpu.memory_space<vmem>> -> memref<128x128xf32, #tpu.memory_space<vmem>>
      tpu.wait_dma2 semaphore(%arg11 : memref<!tpu.dma_semaphore, #tpu.memory_space<semaphore_mem>>) src(%dma_wait3A_284 : memref<128x128xf32, #tpu.memory_space<vmem>>) dst(%dma_wait3A_280 : memref<128x128xf32, #tpu.memory_space<hbm>>)
      %mul3A_285 = arith.constant 128 : i32
      %mul3A_286 = arith.muli %add3A_268, %mul3A_285 : i32
      %dma_start3A_287 = arith.constant 0 : i32
      %dma_start3A_288 = arith.constant 0 : i32
      %dma_start3A_289 = arith.constant 0 : i32
      %dma_start3A_290 = tpu.memref_slice %arg6[%dma_start3A_287, %dma_start3A_288, %dma_start3A_289] : memref<3x128x128xf32, #tpu.memory_space<vmem>> -> memref<1x128x128xf32, #tpu.memory_space<vmem>>
      %dma_start3A_291 = tpu.memref_squeeze %dma_start3A_290 : memref<1x128x128xf32, #tpu.memory_space<vmem>> -> memref<128x128xf32, #tpu.memory_space<vmem>>
      %dma_start3A_292 = tpu.memref_slice %arg5[%mul3A_286] : memref<25600xi32, #tpu.memory_space<vmem>> -> memref<128xi32, #tpu.memory_space<vmem>>
      %dma_start3A_293 = arith.constant 0 : i32
      %dma_start3A_294 = arith.constant 0 : i32
      %dma_start3A_295 = tpu.memref_slice %arg7[%dma_start3A_293, %dma_start3A_294] : memref<5248x128xf32, #tpu.memory_space<vmem_shared>> -> memref<5248x128xf32, #tpu.memory_space<vmem_shared>>
      tpu.enqueue_indirect_dma source(%dma_start3A_295 : memref<5248x128xf32, #tpu.memory_space<vmem_shared>>) target(%dma_start3A_291 : memref<128x128xf32, #tpu.memory_space<vmem>>) offsets(%dma_start3A_292 : memref<128xi32, #tpu.memory_space<vmem>>) semaphore(%arg8 : memref<!tpu.dma_semaphore, #tpu.memory_space<semaphore_mem>>)
      %mul3A_296 = arith.constant 3 : i32
      %mul3A_297 = arith.muli %scan3A_264, %mul3A_296 : i32
      %add3A_298 = arith.constant 1 : i32
      %add3A_299 = arith.addi %mul3A_297, %add3A_298 : i32
      %mul3A_300 = arith.constant 128 : i32
      %mul3A_301 = arith.muli %add3A_299, %mul3A_300 : i32
      %add3A_302 = arith.addi %mul3A_2, %mul3A_301 : i32
      %dma_wait3A_303 = arith.constant 1 : i32
      %dma_wait3A_304 = arith.constant 0 : i32
      %dma_wait3A_305 = arith.constant 0 : i32
      %dma_wait3A_306 = tpu.memref_slice %arg6[%dma_wait3A_303, %dma_wait3A_304, %dma_wait3A_305] : memref<3x128x128xf32, #tpu.memory_space<vmem>> -> memref<1x128x128xf32, #tpu.memory_space<vmem>>
      %dma_wait3A_307 = tpu.memref_squeeze %dma_wait3A_306 : memref<1x128x128xf32, #tpu.memory_space<vmem>> -> memref<128x128xf32, #tpu.memory_space<vmem>>
      %dma_wait3A_308 = arith.constant 0 : i32
      %dma_wait3A_309 = tpu.memref_slice %arg4[%add3A_302, %dma_wait3A_308] : memref<819200x128xf32, #tpu.memory_space<hbm>> -> memref<128x128xf32, #tpu.memory_space<hbm>>
      %dma_wait3A_310 = arith.constant 0 : i32
      %dma_wait3A_311 = tpu.memref_slice %arg4[%add3A_302, %dma_wait3A_310] : memref<819200x128xf32, #tpu.memory_space<hbm>> -> memref<128x128xf32, #tpu.memory_space<hbm>>
      %dma_wait3A_312 = arith.constant 0 : i32
      %dma_wait3A_313 = arith.constant 0 : i32
      %dma_wait3A_314 = tpu.memref_slice %arg6[%dma_wait3A_303, %dma_wait3A_312, %dma_wait3A_313] : memref<3x128x128xf32, #tpu.memory_space<vmem>> -> memref<1x128x128xf32, #tpu.memory_space<vmem>>
      %dma_wait3A_315 = tpu.memref_squeeze %dma_wait3A_314 : memref<1x128x128xf32, #tpu.memory_space<vmem>> -> memref<128x128xf32, #tpu.memory_space<vmem>>
      tpu.wait_dma2 semaphore(%arg12 : memref<!tpu.dma_semaphore, #tpu.memory_space<semaphore_mem>>) src(%dma_wait3A_315 : memref<128x128xf32, #tpu.memory_space<vmem>>) dst(%dma_wait3A_311 : memref<128x128xf32, #tpu.memory_space<hbm>>)
      %mul3A_316 = arith.constant 128 : i32
      %mul3A_317 = arith.muli %add3A_299, %mul3A_316 : i32
      %dma_start3A_318 = arith.constant 1 : i32
      %dma_start3A_319 = arith.constant 0 : i32
      %dma_start3A_320 = arith.constant 0 : i32
      %dma_start3A_321 = tpu.memref_slice %arg6[%dma_start3A_318, %dma_start3A_319, %dma_start3A_320] : memref<3x128x128xf32, #tpu.memory_space<vmem>> -> memref<1x128x128xf32, #tpu.memory_space<vmem>>
      %dma_start3A_322 = tpu.memref_squeeze %dma_start3A_321 : memref<1x128x128xf32, #tpu.memory_space<vmem>> -> memref<128x128xf32, #tpu.memory_space<vmem>>
      %dma_start3A_323 = tpu.memref_slice %arg5[%mul3A_317] : memref<25600xi32, #tpu.memory_space<vmem>> -> memref<128xi32, #tpu.memory_space<vmem>>
      %dma_start3A_324 = arith.constant 0 : i32
      %dma_start3A_325 = arith.constant 0 : i32
      %dma_start3A_326 = tpu.memref_slice %arg7[%dma_start3A_324, %dma_start3A_325] : memref<5248x128xf32, #tpu.memory_space<vmem_shared>> -> memref<5248x128xf32, #tpu.memory_space<vmem_shared>>
      tpu.enqueue_indirect_dma source(%dma_start3A_326 : memref<5248x128xf32, #tpu.memory_space<vmem_shared>>) target(%dma_start3A_322 : memref<128x128xf32, #tpu.memory_space<vmem>>) offsets(%dma_start3A_323 : memref<128xi32, #tpu.memory_space<vmem>>) semaphore(%arg9 : memref<!tpu.dma_semaphore, #tpu.memory_space<semaphore_mem>>)
      %mul3A_327 = arith.constant 3 : i32
      %mul3A_328 = arith.muli %scan3A_264, %mul3A_327 : i32
      %add3A_329 = arith.constant 2 : i32
      %add3A_330 = arith.addi %mul3A_328, %add3A_329 : i32
      %mul3A_331 = arith.constant 128 : i32
      %mul3A_332 = arith.muli %add3A_330, %mul3A_331 : i32
      %add3A_333 = arith.addi %mul3A_2, %mul3A_332 : i32
      %dma_wait3A_334 = arith.constant 2 : i32
      %dma_wait3A_335 = arith.constant 0 : i32
      %dma_wait3A_336 = arith.constant 0 : i32
      %dma_wait3A_337 = tpu.memref_slice %arg6[%dma_wait3A_334, %dma_wait3A_335, %dma_wait3A_336] : memref<3x128x128xf32, #tpu.memory_space<vmem>> -> memref<1x128x128xf32, #tpu.memory_space<vmem>>
      %dma_wait3A_338 = tpu.memref_squeeze %dma_wait3A_337 : memref<1x128x128xf32, #tpu.memory_space<vmem>> -> memref<128x128xf32, #tpu.memory_space<vmem>>
      %dma_wait3A_339 = arith.constant 0 : i32
      %dma_wait3A_340 = tpu.memref_slice %arg4[%add3A_333, %dma_wait3A_339] : memref<819200x128xf32, #tpu.memory_space<hbm>> -> memref<128x128xf32, #tpu.memory_space<hbm>>
      %dma_wait3A_341 = arith.constant 0 : i32
      %dma_wait3A_342 = tpu.memref_slice %arg4[%add3A_333, %dma_wait3A_341] : memref<819200x128xf32, #tpu.memory_space<hbm>> -> memref<128x128xf32, #tpu.memory_space<hbm>>
      %dma_wait3A_343 = arith.constant 0 : i32
      %dma_wait3A_344 = arith.constant 0 : i32
      %dma_wait3A_345 = tpu.memref_slice %arg6[%dma_wait3A_334, %dma_wait3A_343, %dma_wait3A_344] : memref<3x128x128xf32, #tpu.memory_space<vmem>> -> memref<1x128x128xf32, #tpu.memory_space<vmem>>
      %dma_wait3A_346 = tpu.memref_squeeze %dma_wait3A_345 : memref<1x128x128xf32, #tpu.memory_space<vmem>> -> memref<128x128xf32, #tpu.memory_space<vmem>>
      tpu.wait_dma2 semaphore(%arg13 : memref<!tpu.dma_semaphore, #tpu.memory_space<semaphore_mem>>) src(%dma_wait3A_346 : memref<128x128xf32, #tpu.memory_space<vmem>>) dst(%dma_wait3A_342 : memref<128x128xf32, #tpu.memory_space<hbm>>)
      %mul3A_347 = arith.constant 128 : i32
      %mul3A_348 = arith.muli %add3A_330, %mul3A_347 : i32
      %dma_start3A_349 = arith.constant 2 : i32
      %dma_start3A_350 = arith.constant 0 : i32
      %dma_start3A_351 = arith.constant 0 : i32
      %dma_start3A_352 = tpu.memref_slice %arg6[%dma_start3A_349, %dma_start3A_350, %dma_start3A_351] : memref<3x128x128xf32, #tpu.memory_space<vmem>> -> memref<1x128x128xf32, #tpu.memory_space<vmem>>
      %dma_start3A_353 = tpu.memref_squeeze %dma_start3A_352 : memref<1x128x128xf32, #tpu.memory_space<vmem>> -> memref<128x128xf32, #tpu.memory_space<vmem>>
      %dma_start3A_354 = tpu.memref_slice %arg5[%mul3A_348] : memref<25600xi32, #tpu.memory_space<vmem>> -> memref<128xi32, #tpu.memory_space<vmem>>
      %dma_start3A_355 = arith.constant 0 : i32
      %dma_start3A_356 = arith.constant 0 : i32
      %dma_start3A_357 = tpu.memref_slice %arg7[%dma_start3A_355, %dma_start3A_356] : memref<5248x128xf32, #tpu.memory_space<vmem_shared>> -> memref<5248x128xf32, #tpu.memory_space<vmem_shared>>
      tpu.enqueue_indirect_dma source(%dma_start3A_357 : memref<5248x128xf32, #tpu.memory_space<vmem_shared>>) target(%dma_start3A_353 : memref<128x128xf32, #tpu.memory_space<vmem>>) offsets(%dma_start3A_354 : memref<128xi32, #tpu.memory_space<vmem>>) semaphore(%arg10 : memref<!tpu.dma_semaphore, #tpu.memory_space<semaphore_mem>>)
      %mul3A_358 = arith.constant 3 : i32
      %mul3A_359 = arith.muli %scan3A_264, %mul3A_358 : i32
      %add3A_360 = arith.constant 0 : i32
      %add3A_361 = arith.addi %mul3A_359, %add3A_360 : i32
      %dma_wait3A_362 = arith.constant 0 : i32
      %dma_wait3A_363 = arith.constant 0 : i32
      %dma_wait3A_364 = arith.constant 0 : i32
      %dma_wait3A_365 = tpu.memref_slice %arg6[%dma_wait3A_362, %dma_wait3A_363, %dma_wait3A_364] : memref<3x128x128xf32, #tpu.memory_space<vmem>> -> memref<1x128x128xf32, #tpu.memory_space<vmem>>
      %dma_wait3A_366 = tpu.memref_squeeze %dma_wait3A_365 : memref<1x128x128xf32, #tpu.memory_space<vmem>> -> memref<128x128xf32, #tpu.memory_space<vmem>>
      %dma_wait3A_367 = tpu.memref_slice %arg5[%mul3A_286] : memref<25600xi32, #tpu.memory_space<vmem>> -> memref<128xi32, #tpu.memory_space<vmem>>
      %dma_wait3A_368 = arith.constant 0 : i32
      %dma_wait3A_369 = arith.constant 0 : i32
      %dma_wait3A_370 = tpu.memref_slice %arg7[%dma_wait3A_368, %dma_wait3A_369] : memref<5248x128xf32, #tpu.memory_space<vmem_shared>> -> memref<5248x128xf32, #tpu.memory_space<vmem_shared>>
      tpu.wait_indirect_dma semaphore(%arg8 : memref<!tpu.dma_semaphore, #tpu.memory_space<semaphore_mem>>) src(%dma_wait3A_370 : memref<5248x128xf32, #tpu.memory_space<vmem_shared>>) dst(%dma_wait3A_366 : memref<128x128xf32, #tpu.memory_space<vmem>>)
      %mul3A_371 = arith.constant 128 : i32
      %mul3A_372 = arith.muli %add3A_361, %mul3A_371 : i32
      %add3A_373 = arith.addi %mul3A_2, %mul3A_372 : i32
      %dma_start3A_374 = arith.constant 0 : i32
      %dma_start3A_375 = arith.constant 0 : i32
      %dma_start3A_376 = arith.constant 0 : i32
      %dma_start3A_377 = tpu.memref_slice %arg6[%dma_start3A_374, %dma_start3A_375, %dma_start3A_376] : memref<3x128x128xf32, #tpu.memory_space<vmem>> -> memref<1x128x128xf32, #tpu.memory_space<vmem>>
      %dma_start3A_378 = tpu.memref_squeeze %dma_start3A_377 : memref<1x128x128xf32, #tpu.memory_space<vmem>> -> memref<128x128xf32, #tpu.memory_space<vmem>>
      %dma_start3A_379 = arith.constant 0 : i32
      %dma_start3A_380 = tpu.memref_slice %arg4[%add3A_373, %dma_start3A_379] : memref<819200x128xf32, #tpu.memory_space<hbm>> -> memref<128x128xf32, #tpu.memory_space<hbm>>
      %dma_start3A_381 = arith.constant 0 : i32
      %dma_start3A_382 = tpu.memref_slice %arg4[%add3A_373, %dma_start3A_381] : memref<819200x128xf32, #tpu.memory_space<hbm>> -> memref<128x128xf32, #tpu.memory_space<hbm>>
      %dma_start3A_383 = arith.constant 0 : i32
      %dma_start3A_384 = arith.constant 0 : i32
      %dma_start3A_385 = tpu.memref_slice %arg6[%dma_start3A_374, %dma_start3A_383, %dma_start3A_384] : memref<3x128x128xf32, #tpu.memory_space<vmem>> -> memref<1x128x128xf32, #tpu.memory_space<vmem>>
      %dma_start3A_386 = tpu.memref_squeeze %dma_start3A_385 : memref<1x128x128xf32, #tpu.memory_space<vmem>> -> memref<128x128xf32, #tpu.memory_space<vmem>>
      tpu.enqueue_dma source(%dma_start3A_386 : memref<128x128xf32, #tpu.memory_space<vmem>>) target(%dma_start3A_382 : memref<128x128xf32, #tpu.memory_space<hbm>>) target_semaphore(%arg11 : memref<!tpu.dma_semaphore, #tpu.memory_space<semaphore_mem>>)
      %mul3A_387 = arith.constant 3 : i32
      %mul3A_388 = arith.muli %scan3A_264, %mul3A_387 : i32
      %add3A_389 = arith.constant 1 : i32
      %add3A_390 = arith.addi %mul3A_388, %add3A_389 : i32
      %dma_wait3A_391 = arith.constant 1 : i32
      %dma_wait3A_392 = arith.constant 0 : i32
      %dma_wait3A_393 = arith.constant 0 : i32
      %dma_wait3A_394 = tpu.memref_slice %arg6[%dma_wait3A_391, %dma_wait3A_392, %dma_wait3A_393] : memref<3x128x128xf32, #tpu.memory_space<vmem>> -> memref<1x128x128xf32, #tpu.memory_space<vmem>>
      %dma_wait3A_395 = tpu.memref_squeeze %dma_wait3A_394 : memref<1x128x128xf32, #tpu.memory_space<vmem>> -> memref<128x128xf32, #tpu.memory_space<vmem>>
      %dma_wait3A_396 = tpu.memref_slice %arg5[%mul3A_317] : memref<25600xi32, #tpu.memory_space<vmem>> -> memref<128xi32, #tpu.memory_space<vmem>>
      %dma_wait3A_397 = arith.constant 0 : i32
      %dma_wait3A_398 = arith.constant 0 : i32
      %dma_wait3A_399 = tpu.memref_slice %arg7[%dma_wait3A_397, %dma_wait3A_398] : memref<5248x128xf32, #tpu.memory_space<vmem_shared>> -> memref<5248x128xf32, #tpu.memory_space<vmem_shared>>
      tpu.wait_indirect_dma semaphore(%arg9 : memref<!tpu.dma_semaphore, #tpu.memory_space<semaphore_mem>>) src(%dma_wait3A_399 : memref<5248x128xf32, #tpu.memory_space<vmem_shared>>) dst(%dma_wait3A_395 : memref<128x128xf32, #tpu.memory_space<vmem>>)
      %mul3A_400 = arith.constant 128 : i32
      %mul3A_401 = arith.muli %add3A_390, %mul3A_400 : i32
      %add3A_402 = arith.addi %mul3A_2, %mul3A_401 : i32
      %dma_start3A_403 = arith.constant 1 : i32
      %dma_start3A_404 = arith.constant 0 : i32
      %dma_start3A_405 = arith.constant 0 : i32
      %dma_start3A_406 = tpu.memref_slice %arg6[%dma_start3A_403, %dma_start3A_404, %dma_start3A_405] : memref<3x128x128xf32, #tpu.memory_space<vmem>> -> memref<1x128x128xf32, #tpu.memory_space<vmem>>
      %dma_start3A_407 = tpu.memref_squeeze %dma_start3A_406 : memref<1x128x128xf32, #tpu.memory_space<vmem>> -> memref<128x128xf32, #tpu.memory_space<vmem>>
      %dma_start3A_408 = arith.constant 0 : i32
      %dma_start3A_409 = tpu.memref_slice %arg4[%add3A_402, %dma_start3A_408] : memref<819200x128xf32, #tpu.memory_space<hbm>> -> memref<128x128xf32, #tpu.memory_space<hbm>>
      %dma_start3A_410 = arith.constant 0 : i32
      %dma_start3A_411 = tpu.memref_slice %arg4[%add3A_402, %dma_start3A_410] : memref<819200x128xf32, #tpu.memory_space<hbm>> -> memref<128x128xf32, #tpu.memory_space<hbm>>
      %dma_start3A_412 = arith.constant 0 : i32
      %dma_start3A_413 = arith.constant 0 : i32
      %dma_start3A_414 = tpu.memref_slice %arg6[%dma_start3A_403, %dma_start3A_412, %dma_start3A_413] : memref<3x128x128xf32, #tpu.memory_space<vmem>> -> memref<1x128x128xf32, #tpu.memory_space<vmem>>
      %dma_start3A_415 = tpu.memref_squeeze %dma_start3A_414 : memref<1x128x128xf32, #tpu.memory_space<vmem>> -> memref<128x128xf32, #tpu.memory_space<vmem>>
      tpu.enqueue_dma source(%dma_start3A_415 : memref<128x128xf32, #tpu.memory_space<vmem>>) target(%dma_start3A_411 : memref<128x128xf32, #tpu.memory_space<hbm>>) target_semaphore(%arg12 : memref<!tpu.dma_semaphore, #tpu.memory_space<semaphore_mem>>)
      %mul3A_416 = arith.constant 3 : i32
      %mul3A_417 = arith.muli %scan3A_264, %mul3A_416 : i32
      %add3A_418 = arith.constant 2 : i32
      %add3A_419 = arith.addi %mul3A_417, %add3A_418 : i32
      %dma_wait3A_420 = arith.constant 2 : i32
      %dma_wait3A_421 = arith.constant 0 : i32
      %dma_wait3A_422 = arith.constant 0 : i32
      %dma_wait3A_423 = tpu.memref_slice %arg6[%dma_wait3A_420, %dma_wait3A_421, %dma_wait3A_422] : memref<3x128x128xf32, #tpu.memory_space<vmem>> -> memref<1x128x128xf32, #tpu.memory_space<vmem>>
      %dma_wait3A_424 = tpu.memref_squeeze %dma_wait3A_423 : memref<1x128x128xf32, #tpu.memory_space<vmem>> -> memref<128x128xf32, #tpu.memory_space<vmem>>
      %dma_wait3A_425 = tpu.memref_slice %arg5[%mul3A_348] : memref<25600xi32, #tpu.memory_space<vmem>> -> memref<128xi32, #tpu.memory_space<vmem>>
      %dma_wait3A_426 = arith.constant 0 : i32
      %dma_wait3A_427 = arith.constant 0 : i32
      %dma_wait3A_428 = tpu.memref_slice %arg7[%dma_wait3A_426, %dma_wait3A_427] : memref<5248x128xf32, #tpu.memory_space<vmem_shared>> -> memref<5248x128xf32, #tpu.memory_space<vmem_shared>>
      tpu.wait_indirect_dma semaphore(%arg10 : memref<!tpu.dma_semaphore, #tpu.memory_space<semaphore_mem>>) src(%dma_wait3A_428 : memref<5248x128xf32, #tpu.memory_space<vmem_shared>>) dst(%dma_wait3A_424 : memref<128x128xf32, #tpu.memory_space<vmem>>)
      %mul3A_429 = arith.constant 128 : i32
      %mul3A_430 = arith.muli %add3A_419, %mul3A_429 : i32
      %add3A_431 = arith.addi %mul3A_2, %mul3A_430 : i32
      %dma_start3A_432 = arith.constant 2 : i32
      %dma_start3A_433 = arith.constant 0 : i32
      %dma_start3A_434 = arith.constant 0 : i32
      %dma_start3A_435 = tpu.memref_slice %arg6[%dma_start3A_432, %dma_start3A_433, %dma_start3A_434] : memref<3x128x128xf32, #tpu.memory_space<vmem>> -> memref<1x128x128xf32, #tpu.memory_space<vmem>>
      %dma_start3A_436 = tpu.memref_squeeze %dma_start3A_435 : memref<1x128x128xf32, #tpu.memory_space<vmem>> -> memref<128x128xf32, #tpu.memory_space<vmem>>
      %dma_start3A_437 = arith.constant 0 : i32
      %dma_start3A_438 = tpu.memref_slice %arg4[%add3A_431, %dma_start3A_437] : memref<819200x128xf32, #tpu.memory_space<hbm>> -> memref<128x128xf32, #tpu.memory_space<hbm>>
      %dma_start3A_439 = arith.constant 0 : i32
      %dma_start3A_440 = tpu.memref_slice %arg4[%add3A_431, %dma_start3A_439] : memref<819200x128xf32, #tpu.memory_space<hbm>> -> memref<128x128xf32, #tpu.memory_space<hbm>>
      %dma_start3A_441 = arith.constant 0 : i32
      %dma_start3A_442 = arith.constant 0 : i32
      %dma_start3A_443 = tpu.memref_slice %arg6[%dma_start3A_432, %dma_start3A_441, %dma_start3A_442] : memref<3x128x128xf32, #tpu.memory_space<vmem>> -> memref<1x128x128xf32, #tpu.memory_space<vmem>>
      %dma_start3A_444 = tpu.memref_squeeze %dma_start3A_443 : memref<1x128x128xf32, #tpu.memory_space<vmem>> -> memref<128x128xf32, #tpu.memory_space<vmem>>
      tpu.enqueue_dma source(%dma_start3A_444 : memref<128x128xf32, #tpu.memory_space<vmem>>) target(%dma_start3A_440 : memref<128x128xf32, #tpu.memory_space<hbm>>) target_semaphore(%arg13 : memref<!tpu.dma_semaphore, #tpu.memory_space<semaphore_mem>>)
    }
    %scan3A_118 = arith.constant 65 : i32
    %add3A_119 = arith.constant 25344 : i32
    %add3A_120 = arith.addi %mul3A_2, %add3A_119 : i32
    %dma_wait3A_121 = arith.constant 0 : i32
    %dma_wait3A_122 = arith.constant 0 : i32
    %dma_wait3A_123 = arith.constant 0 : i32
    %dma_wait3A_124 = tpu.memref_slice %arg6[%dma_wait3A_121, %dma_wait3A_122, %dma_wait3A_123] : memref<3x128x128xf32, #tpu.memory_space<vmem>> -> memref<1x128x128xf32, #tpu.memory_space<vmem>>
    %dma_wait3A_125 = tpu.memref_squeeze %dma_wait3A_124 : memref<1x128x128xf32, #tpu.memory_space<vmem>> -> memref<128x128xf32, #tpu.memory_space<vmem>>
    %dma_wait3A_126 = arith.constant 0 : i32
    %dma_wait3A_127 = tpu.memref_slice %arg4[%add3A_120, %dma_wait3A_126] : memref<819200x128xf32, #tpu.memory_space<hbm>> -> memref<128x128xf32, #tpu.memory_space<hbm>>
    %dma_wait3A_128 = arith.constant 0 : i32
    %dma_wait3A_129 = tpu.memref_slice %arg4[%add3A_120, %dma_wait3A_128] : memref<819200x128xf32, #tpu.memory_space<hbm>> -> memref<128x128xf32, #tpu.memory_space<hbm>>
    %dma_wait3A_130 = arith.constant 0 : i32
    %dma_wait3A_131 = arith.constant 0 : i32
    %dma_wait3A_132 = tpu.memref_slice %arg6[%dma_wait3A_121, %dma_wait3A_130, %dma_wait3A_131] : memref<3x128x128xf32, #tpu.memory_space<vmem>> -> memref<1x128x128xf32, #tpu.memory_space<vmem>>
    %dma_wait3A_133 = tpu.memref_squeeze %dma_wait3A_132 : memref<1x128x128xf32, #tpu.memory_space<vmem>> -> memref<128x128xf32, #tpu.memory_space<vmem>>
    tpu.wait_dma2 semaphore(%arg11 : memref<!tpu.dma_semaphore, #tpu.memory_space<semaphore_mem>>) src(%dma_wait3A_133 : memref<128x128xf32, #tpu.memory_space<vmem>>) dst(%dma_wait3A_129 : memref<128x128xf32, #tpu.memory_space<hbm>>)
    %dma_start3A_134 = arith.constant 0 : i32
    %dma_start3A_135 = arith.constant 0 : i32
    %dma_start3A_136 = arith.constant 0 : i32
    %dma_start3A_137 = tpu.memref_slice %arg6[%dma_start3A_134, %dma_start3A_135, %dma_start3A_136] : memref<3x128x128xf32, #tpu.memory_space<vmem>> -> memref<1x128x128xf32, #tpu.memory_space<vmem>>
    %dma_start3A_138 = tpu.memref_squeeze %dma_start3A_137 : memref<1x128x128xf32, #tpu.memory_space<vmem>> -> memref<128x128xf32, #tpu.memory_space<vmem>>
    %dma_start3A_139 = arith.constant 25344 : i32
    %dma_start3A_140 = tpu.memref_slice %arg5[%dma_start3A_139] : memref<25600xi32, #tpu.memory_space<vmem>> -> memref<128xi32, #tpu.memory_space<vmem>>
    %dma_start3A_141 = arith.constant 0 : i32
    %dma_start3A_142 = arith.constant 0 : i32
    %dma_start3A_143 = tpu.memref_slice %arg7[%dma_start3A_141, %dma_start3A_142] : memref<5248x128xf32, #tpu.memory_space<vmem_shared>> -> memref<5248x128xf32, #tpu.memory_space<vmem_shared>>
    tpu.enqueue_indirect_dma source(%dma_start3A_143 : memref<5248x128xf32, #tpu.memory_space<vmem_shared>>) target(%dma_start3A_138 : memref<128x128xf32, #tpu.memory_space<vmem>>) offsets(%dma_start3A_140 : memref<128xi32, #tpu.memory_space<vmem>>) semaphore(%arg8 : memref<!tpu.dma_semaphore, #tpu.memory_space<semaphore_mem>>)
    %add3A_144 = arith.constant 25472 : i32
    %add3A_145 = arith.addi %mul3A_2, %add3A_144 : i32
    %dma_wait3A_146 = arith.constant 1 : i32
    %dma_wait3A_147 = arith.constant 0 : i32
    %dma_wait3A_148 = arith.constant 0 : i32
    %dma_wait3A_149 = tpu.memref_slice %arg6[%dma_wait3A_146, %dma_wait3A_147, %dma_wait3A_148] : memref<3x128x128xf32, #tpu.memory_space<vmem>> -> memref<1x128x128xf32, #tpu.memory_space<vmem>>
    %dma_wait3A_150 = tpu.memref_squeeze %dma_wait3A_149 : memref<1x128x128xf32, #tpu.memory_space<vmem>> -> memref<128x128xf32, #tpu.memory_space<vmem>>
    %dma_wait3A_151 = arith.constant 0 : i32
    %dma_wait3A_152 = tpu.memref_slice %arg4[%add3A_145, %dma_wait3A_151] : memref<819200x128xf32, #tpu.memory_space<hbm>> -> memref<128x128xf32, #tpu.memory_space<hbm>>
    %dma_wait3A_153 = arith.constant 0 : i32
    %dma_wait3A_154 = tpu.memref_slice %arg4[%add3A_145, %dma_wait3A_153] : memref<819200x128xf32, #tpu.memory_space<hbm>> -> memref<128x128xf32, #tpu.memory_space<hbm>>
    %dma_wait3A_155 = arith.constant 0 : i32
    %dma_wait3A_156 = arith.constant 0 : i32
    %dma_wait3A_157 = tpu.memref_slice %arg6[%dma_wait3A_146, %dma_wait3A_155, %dma_wait3A_156] : memref<3x128x128xf32, #tpu.memory_space<vmem>> -> memref<1x128x128xf32, #tpu.memory_space<vmem>>
    %dma_wait3A_158 = tpu.memref_squeeze %dma_wait3A_157 : memref<1x128x128xf32, #tpu.memory_space<vmem>> -> memref<128x128xf32, #tpu.memory_space<vmem>>
    tpu.wait_dma2 semaphore(%arg12 : memref<!tpu.dma_semaphore, #tpu.memory_space<semaphore_mem>>) src(%dma_wait3A_158 : memref<128x128xf32, #tpu.memory_space<vmem>>) dst(%dma_wait3A_154 : memref<128x128xf32, #tpu.memory_space<hbm>>)
    %dma_start3A_159 = arith.constant 1 : i32
    %dma_start3A_160 = arith.constant 0 : i32
    %dma_start3A_161 = arith.constant 0 : i32
    %dma_start3A_162 = tpu.memref_slice %arg6[%dma_start3A_159, %dma_start3A_160, %dma_start3A_161] : memref<3x128x128xf32, #tpu.memory_space<vmem>> -> memref<1x128x128xf32, #tpu.memory_space<vmem>>
    %dma_start3A_163 = tpu.memref_squeeze %dma_start3A_162 : memref<1x128x128xf32, #tpu.memory_space<vmem>> -> memref<128x128xf32, #tpu.memory_space<vmem>>
    %dma_start3A_164 = arith.constant 25472 : i32
    %dma_start3A_165 = tpu.memref_slice %arg5[%dma_start3A_164] : memref<25600xi32, #tpu.memory_space<vmem>> -> memref<128xi32, #tpu.memory_space<vmem>>
    %dma_start3A_166 = arith.constant 0 : i32
    %dma_start3A_167 = arith.constant 0 : i32
    %dma_start3A_168 = tpu.memref_slice %arg7[%dma_start3A_166, %dma_start3A_167] : memref<5248x128xf32, #tpu.memory_space<vmem_shared>> -> memref<5248x128xf32, #tpu.memory_space<vmem_shared>>
    tpu.enqueue_indirect_dma source(%dma_start3A_168 : memref<5248x128xf32, #tpu.memory_space<vmem_shared>>) target(%dma_start3A_163 : memref<128x128xf32, #tpu.memory_space<vmem>>) offsets(%dma_start3A_165 : memref<128xi32, #tpu.memory_space<vmem>>) semaphore(%arg9 : memref<!tpu.dma_semaphore, #tpu.memory_space<semaphore_mem>>)
    %dma_wait3A_169 = arith.constant 0 : i32
    %dma_wait3A_170 = arith.constant 0 : i32
    %dma_wait3A_171 = arith.constant 0 : i32
    %dma_wait3A_172 = tpu.memref_slice %arg6[%dma_wait3A_169, %dma_wait3A_170, %dma_wait3A_171] : memref<3x128x128xf32, #tpu.memory_space<vmem>> -> memref<1x128x128xf32, #tpu.memory_space<vmem>>
    %dma_wait3A_173 = tpu.memref_squeeze %dma_wait3A_172 : memref<1x128x128xf32, #tpu.memory_space<vmem>> -> memref<128x128xf32, #tpu.memory_space<vmem>>
    %dma_wait3A_174 = arith.constant 25344 : i32
    %dma_wait3A_175 = tpu.memref_slice %arg5[%dma_wait3A_174] : memref<25600xi32, #tpu.memory_space<vmem>> -> memref<128xi32, #tpu.memory_space<vmem>>
    %dma_wait3A_176 = arith.constant 0 : i32
    %dma_wait3A_177 = arith.constant 0 : i32
    %dma_wait3A_178 = tpu.memref_slice %arg7[%dma_wait3A_176, %dma_wait3A_177] : memref<5248x128xf32, #tpu.memory_space<vmem_shared>> -> memref<5248x128xf32, #tpu.memory_space<vmem_shared>>
    tpu.wait_indirect_dma semaphore(%arg8 : memref<!tpu.dma_semaphore, #tpu.memory_space<semaphore_mem>>) src(%dma_wait3A_178 : memref<5248x128xf32, #tpu.memory_space<vmem_shared>>) dst(%dma_wait3A_173 : memref<128x128xf32, #tpu.memory_space<vmem>>)
    %add3A_179 = arith.constant 25344 : i32
    %add3A_180 = arith.addi %mul3A_2, %add3A_179 : i32
    %dma_start3A_181 = arith.constant 0 : i32
    %dma_start3A_182 = arith.constant 0 : i32
    %dma_start3A_183 = arith.constant 0 : i32
    %dma_start3A_184 = tpu.memref_slice %arg6[%dma_start3A_181, %dma_start3A_182, %dma_start3A_183] : memref<3x128x128xf32, #tpu.memory_space<vmem>> -> memref<1x128x128xf32, #tpu.memory_space<vmem>>
    %dma_start3A_185 = tpu.memref_squeeze %dma_start3A_184 : memref<1x128x128xf32, #tpu.memory_space<vmem>> -> memref<128x128xf32, #tpu.memory_space<vmem>>
    %dma_start3A_186 = arith.constant 0 : i32
    %dma_start3A_187 = tpu.memref_slice %arg4[%add3A_180, %dma_start3A_186] : memref<819200x128xf32, #tpu.memory_space<hbm>> -> memref<128x128xf32, #tpu.memory_space<hbm>>
    %dma_start3A_188 = arith.constant 0 : i32
    %dma_start3A_189 = tpu.memref_slice %arg4[%add3A_180, %dma_start3A_188] : memref<819200x128xf32, #tpu.memory_space<hbm>> -> memref<128x128xf32, #tpu.memory_space<hbm>>
    %dma_start3A_190 = arith.constant 0 : i32
    %dma_start3A_191 = arith.constant 0 : i32
    %dma_start3A_192 = tpu.memref_slice %arg6[%dma_start3A_181, %dma_start3A_190, %dma_start3A_191] : memref<3x128x128xf32, #tpu.memory_space<vmem>> -> memref<1x128x128xf32, #tpu.memory_space<vmem>>
    %dma_start3A_193 = tpu.memref_squeeze %dma_start3A_192 : memref<1x128x128xf32, #tpu.memory_space<vmem>> -> memref<128x128xf32, #tpu.memory_space<vmem>>
    tpu.enqueue_dma source(%dma_start3A_193 : memref<128x128xf32, #tpu.memory_space<vmem>>) target(%dma_start3A_189 : memref<128x128xf32, #tpu.memory_space<hbm>>) target_semaphore(%arg11 : memref<!tpu.dma_semaphore, #tpu.memory_space<semaphore_mem>>)
    %dma_wait3A_194 = arith.constant 1 : i32
    %dma_wait3A_195 = arith.constant 0 : i32
    %dma_wait3A_196 = arith.constant 0 : i32
    %dma_wait3A_197 = tpu.memref_slice %arg6[%dma_wait3A_194, %dma_wait3A_195, %dma_wait3A_196] : memref<3x128x128xf32, #tpu.memory_space<vmem>> -> memref<1x128x128xf32, #tpu.memory_space<vmem>>
    %dma_wait3A_198 = tpu.memref_squeeze %dma_wait3A_197 : memref<1x128x128xf32, #tpu.memory_space<vmem>> -> memref<128x128xf32, #tpu.memory_space<vmem>>
    %dma_wait3A_199 = arith.constant 25472 : i32
    %dma_wait3A_200 = tpu.memref_slice %arg5[%dma_wait3A_199] : memref<25600xi32, #tpu.memory_space<vmem>> -> memref<128xi32, #tpu.memory_space<vmem>>
    %dma_wait3A_201 = arith.constant 0 : i32
    %dma_wait3A_202 = arith.constant 0 : i32
    %dma_wait3A_203 = tpu.memref_slice %arg7[%dma_wait3A_201, %dma_wait3A_202] : memref<5248x128xf32, #tpu.memory_space<vmem_shared>> -> memref<5248x128xf32, #tpu.memory_space<vmem_shared>>
    tpu.wait_indirect_dma semaphore(%arg9 : memref<!tpu.dma_semaphore, #tpu.memory_space<semaphore_mem>>) src(%dma_wait3A_203 : memref<5248x128xf32, #tpu.memory_space<vmem_shared>>) dst(%dma_wait3A_198 : memref<128x128xf32, #tpu.memory_space<vmem>>)
    %add3A_204 = arith.constant 25472 : i32
    %add3A_205 = arith.addi %mul3A_2, %add3A_204 : i32
    %dma_start3A_206 = arith.constant 1 : i32
    %dma_start3A_207 = arith.constant 0 : i32
    %dma_start3A_208 = arith.constant 0 : i32
    %dma_start3A_209 = tpu.memref_slice %arg6[%dma_start3A_206, %dma_start3A_207, %dma_start3A_208] : memref<3x128x128xf32, #tpu.memory_space<vmem>> -> memref<1x128x128xf32, #tpu.memory_space<vmem>>
    %dma_start3A_210 = tpu.memref_squeeze %dma_start3A_209 : memref<1x128x128xf32, #tpu.memory_space<vmem>> -> memref<128x128xf32, #tpu.memory_space<vmem>>
    %dma_start3A_211 = arith.constant 0 : i32
    %dma_start3A_212 = tpu.memref_slice %arg4[%add3A_205, %dma_start3A_211] : memref<819200x128xf32, #tpu.memory_space<hbm>> -> memref<128x128xf32, #tpu.memory_space<hbm>>
    %dma_start3A_213 = arith.constant 0 : i32
    %dma_start3A_214 = tpu.memref_slice %arg4[%add3A_205, %dma_start3A_213] : memref<819200x128xf32, #tpu.memory_space<hbm>> -> memref<128x128xf32, #tpu.memory_space<hbm>>
    %dma_start3A_215 = arith.constant 0 : i32
    %dma_start3A_216 = arith.constant 0 : i32
    %dma_start3A_217 = tpu.memref_slice %arg6[%dma_start3A_206, %dma_start3A_215, %dma_start3A_216] : memref<3x128x128xf32, #tpu.memory_space<vmem>> -> memref<1x128x128xf32, #tpu.memory_space<vmem>>
    %dma_start3A_218 = tpu.memref_squeeze %dma_start3A_217 : memref<1x128x128xf32, #tpu.memory_space<vmem>> -> memref<128x128xf32, #tpu.memory_space<vmem>>
    tpu.enqueue_dma source(%dma_start3A_218 : memref<128x128xf32, #tpu.memory_space<vmem>>) target(%dma_start3A_214 : memref<128x128xf32, #tpu.memory_space<hbm>>) target_semaphore(%arg12 : memref<!tpu.dma_semaphore, #tpu.memory_space<semaphore_mem>>)
    %add3A_219 = arith.constant 0 : i32
    %add3A_220 = arith.addi %mul3A_2, %add3A_219 : i32
    %dma_wait3A_221 = arith.constant 0 : i32
    %dma_wait3A_222 = arith.constant 0 : i32
    %dma_wait3A_223 = arith.constant 0 : i32
    %dma_wait3A_224 = tpu.memref_slice %arg6[%dma_wait3A_221, %dma_wait3A_222, %dma_wait3A_223] : memref<3x128x128xf32, #tpu.memory_space<vmem>> -> memref<1x128x128xf32, #tpu.memory_space<vmem>>
    %dma_wait3A_225 = tpu.memref_squeeze %dma_wait3A_224 : memref<1x128x128xf32, #tpu.memory_space<vmem>> -> memref<128x128xf32, #tpu.memory_space<vmem>>
    %dma_wait3A_226 = arith.constant 0 : i32
    %dma_wait3A_227 = tpu.memref_slice %arg4[%add3A_220, %dma_wait3A_226] : memref<819200x128xf32, #tpu.memory_space<hbm>> -> memref<128x128xf32, #tpu.memory_space<hbm>>
    %dma_wait3A_228 = arith.constant 0 : i32
    %dma_wait3A_229 = tpu.memref_slice %arg4[%add3A_220, %dma_wait3A_228] : memref<819200x128xf32, #tpu.memory_space<hbm>> -> memref<128x128xf32, #tpu.memory_space<hbm>>
    %dma_wait3A_230 = arith.constant 0 : i32
    %dma_wait3A_231 = arith.constant 0 : i32
    %dma_wait3A_232 = tpu.memref_slice %arg6[%dma_wait3A_221, %dma_wait3A_230, %dma_wait3A_231] : memref<3x128x128xf32, #tpu.memory_space<vmem>> -> memref<1x128x128xf32, #tpu.memory_space<vmem>>
    %dma_wait3A_233 = tpu.memref_squeeze %dma_wait3A_232 : memref<1x128x128xf32, #tpu.memory_space<vmem>> -> memref<128x128xf32, #tpu.memory_space<vmem>>
    tpu.wait_dma2 semaphore(%arg11 : memref<!tpu.dma_semaphore, #tpu.memory_space<semaphore_mem>>) src(%dma_wait3A_233 : memref<128x128xf32, #tpu.memory_space<vmem>>) dst(%dma_wait3A_229 : memref<128x128xf32, #tpu.memory_space<hbm>>)
    %add3A_234 = arith.constant 128 : i32
    %add3A_235 = arith.addi %mul3A_2, %add3A_234 : i32
    %dma_wait3A_236 = arith.constant 1 : i32
    %dma_wait3A_237 = arith.constant 0 : i32
    %dma_wait3A_238 = arith.constant 0 : i32
    %dma_wait3A_239 = tpu.memref_slice %arg6[%dma_wait3A_236, %dma_wait3A_237, %dma_wait3A_238] : memref<3x128x128xf32, #tpu.memory_space<vmem>> -> memref<1x128x128xf32, #tpu.memory_space<vmem>>
    %dma_wait3A_240 = tpu.memref_squeeze %dma_wait3A_239 : memref<1x128x128xf32, #tpu.memory_space<vmem>> -> memref<128x128xf32, #tpu.memory_space<vmem>>
    %dma_wait3A_241 = arith.constant 0 : i32
    %dma_wait3A_242 = tpu.memref_slice %arg4[%add3A_235, %dma_wait3A_241] : memref<819200x128xf32, #tpu.memory_space<hbm>> -> memref<128x128xf32, #tpu.memory_space<hbm>>
    %dma_wait3A_243 = arith.constant 0 : i32
    %dma_wait3A_244 = tpu.memref_slice %arg4[%add3A_235, %dma_wait3A_243] : memref<819200x128xf32, #tpu.memory_space<hbm>> -> memref<128x128xf32, #tpu.memory_space<hbm>>
    %dma_wait3A_245 = arith.constant 0 : i32
    %dma_wait3A_246 = arith.constant 0 : i32
    %dma_wait3A_247 = tpu.memref_slice %arg6[%dma_wait3A_236, %dma_wait3A_245, %dma_wait3A_246] : memref<3x128x128xf32, #tpu.memory_space<vmem>> -> memref<1x128x128xf32, #tpu.memory_space<vmem>>
    %dma_wait3A_248 = tpu.memref_squeeze %dma_wait3A_247 : memref<1x128x128xf32, #tpu.memory_space<vmem>> -> memref<128x128xf32, #tpu.memory_space<vmem>>
    tpu.wait_dma2 semaphore(%arg12 : memref<!tpu.dma_semaphore, #tpu.memory_space<semaphore_mem>>) src(%dma_wait3A_248 : memref<128x128xf32, #tpu.memory_space<vmem>>) dst(%dma_wait3A_244 : memref<128x128xf32, #tpu.memory_space<hbm>>)
    %add3A_249 = arith.constant 256 : i32
    %add3A_250 = arith.addi %mul3A_2, %add3A_249 : i32
    %dma_wait3A_251 = arith.constant 2 : i32
    %dma_wait3A_252 = arith.constant 0 : i32
    %dma_wait3A_253 = arith.constant 0 : i32
    %dma_wait3A_254 = tpu.memref_slice %arg6[%dma_wait3A_251, %dma_wait3A_252, %dma_wait3A_253] : memref<3x128x128xf32, #tpu.memory_space<vmem>> -> memref<1x128x128xf32, #tpu.memory_space<vmem>>
    %dma_wait3A_255 = tpu.memref_squeeze %dma_wait3A_254 : memref<1x128x128xf32, #tpu.memory_space<vmem>> -> memref<128x128xf32, #tpu.memory_space<vmem>>
    %dma_wait3A_256 = arith.constant 0 : i32
    %dma_wait3A_257 = tpu.memref_slice %arg4[%add3A_250, %dma_wait3A_256] : memref<819200x128xf32, #tpu.memory_space<hbm>> -> memref<128x128xf32, #tpu.memory_space<hbm>>
    %dma_wait3A_258 = arith.constant 0 : i32
    %dma_wait3A_259 = tpu.memref_slice %arg4[%add3A_250, %dma_wait3A_258] : memref<819200x128xf32, #tpu.memory_space<hbm>> -> memref<128x128xf32, #tpu.memory_space<hbm>>
    %dma_wait3A_260 = arith.constant 0 : i32
    %dma_wait3A_261 = arith.constant 0 : i32
    %dma_wait3A_262 = tpu.memref_slice %arg6[%dma_wait3A_251, %dma_wait3A_260, %dma_wait3A_261] : memref<3x128x128xf32, #tpu.memory_space<vmem>> -> memref<1x128x128xf32, #tpu.memory_space<vmem>>
    %dma_wait3A_263 = tpu.memref_squeeze %dma_wait3A_262 : memref<1x128x128xf32, #tpu.memory_space<vmem>> -> memref<128x128xf32, #tpu.memory_space<vmem>>
    tpu.wait_dma2 semaphore(%arg13 : memref<!tpu.dma_semaphore, #tpu.memory_space<semaphore_mem>>) src(%dma_wait3A_263 : memref<128x128xf32, #tpu.memory_space<vmem>>) dst(%dma_wait3A_259 : memref<128x128xf32, #tpu.memory_space<hbm>>)
    return
  }
}

module attributes {stable_mosaic.version = 14 : i64} {
  func.func @_prep_body(%arg0: i32, %arg1: memref<512x200xi32, #tpu.memory_space<vmem>>, %arg2: memref<512x200xi32, #tpu.memory_space<vmem>>, %arg3: memref<512x200xi32, #tpu.memory_space<vmem>>, %arg4: memref<13x128xf32, #tpu.memory_space<vmem>>, %arg5: memref<200x128xf32, #tpu.memory_space<vmem>>, %arg6: memref<2x128xf32, #tpu.memory_space<vmem>>, %arg7: memref<1x128xf32, #tpu.memory_space<vmem>>, %arg8: memref<1x128xf32, #tpu.memory_space<vmem>>, %arg9: memref<512x200xi32, #tpu.memory_space<vmem>>, %arg10: memref<5248x128xf32, #tpu.memory_space<vmem>>) attributes {dimension_semantics = [#tpu.dimension_semantics<arbitrary>], iteration_bounds = array<i64: 8>, scalar_prefetch = 0 : i64, scratch_operands = 0 : i64, tpu.core_type = #tpu.core_type<tc>, window_params = [{transform_indices = @transform_0, window_bounds = array<i64: 512, 200>}, {transform_indices = @transform_1, window_bounds = array<i64: 512, 200>}, {transform_indices = @transform_2, window_bounds = array<i64: 512, 200>}, {pipeline_mode = #tpu.pipeline_mode<synchronous>, transform_indices = @transform_3, window_bounds = array<i64: 13, 128>}, {pipeline_mode = #tpu.pipeline_mode<synchronous>, transform_indices = @transform_4, window_bounds = array<i64: 200, 128>}, {pipeline_mode = #tpu.pipeline_mode<synchronous>, transform_indices = @transform_5, window_bounds = array<i64: 2, 128>}, {pipeline_mode = #tpu.pipeline_mode<synchronous>, transform_indices = @transform_6, window_bounds = array<i64: 1, 128>}, {pipeline_mode = #tpu.pipeline_mode<synchronous>, transform_indices = @transform_7, window_bounds = array<i64: 1, 128>}, {transform_indices = @transform_8, window_bounds = array<i64: 512, 200>}, {pipeline_mode = #tpu.pipeline_mode<synchronous>, transform_indices = @transform_9, window_bounds = array<i64: 5248, 128>}]} {
    %get3A = arith.constant 0 : index
    %get3A_0 = arith.constant 0 : index
    %get3A_1 = vector.load %arg1[%get3A, %get3A_0] : memref<512x200xi32, #tpu.memory_space<vmem>>, vector<512x200xi32>
    %mul3A = arith.constant 400 : i32
    %mul3A_2 = vector.broadcast %mul3A : i32 to vector<512x200xi32>
    %mul3A_3 = arith.muli %get3A_1, %mul3A_2 : vector<512x200xi32>
    %get3A_4 = arith.constant 0 : index
    %get3A_5 = arith.constant 0 : index
    %get3A_6 = vector.load %arg2[%get3A_4, %get3A_5] : memref<512x200xi32, #tpu.memory_space<vmem>>, vector<512x200xi32>
    %mul3A_7 = arith.constant 2 : i32
    %mul3A_8 = vector.broadcast %mul3A_7 : i32 to vector<512x200xi32>
    %mul3A_9 = arith.muli %get3A_6, %mul3A_8 : vector<512x200xi32>
    %add3A = arith.addi %mul3A_3, %mul3A_9 : vector<512x200xi32>
    %get3A_10 = arith.constant 0 : index
    %get3A_11 = arith.constant 0 : index
    %get3A_12 = vector.load %arg3[%get3A_10, %get3A_11] : memref<512x200xi32, #tpu.memory_space<vmem>>, vector<512x200xi32>
    %add3A_13 = arith.addi %add3A, %get3A_12 : vector<512x200xi32>
    %swap3A = arith.constant 0 : index
    %swap3A_14 = arith.constant 0 : index
    %swap3A_15 = vector.load %arg9[%swap3A, %swap3A_14] : memref<512x200xi32, #tpu.memory_space<vmem>>, vector<512x200xi32>
    tpu.vector_store %arg9[%swap3A, %swap3A_14], %add3A_13 {strides = array<i32>} : memref<512x200xi32, #tpu.memory_space<vmem>>, vector<512x200xi32>,
    %eq3A = arith.constant 0 : i32
    %eq3A_16 = arith.cmpi eq, %arg0, %eq3A : i32
    %convert_element_type3A = arith.extui %eq3A_16 : i1 to i32
    %cond3A = arith.constant 0 : i32
    %cond3A_17 = arith.cmpi ne, %convert_element_type3A, %cond3A : i32
    scf.if %cond3A_17 {
      %get3A_18 = arith.constant 0 : index
      %get3A_19 = arith.constant 0 : index
      %get3A_20 = vector.load %arg5[%get3A_18, %get3A_19] : memref<200x128xf32, #tpu.memory_space<vmem>>, vector<200x128xf32>
      %broadcast_in_dim3A = vector.shape_cast %get3A_20 : vector<200x128xf32> to vector<200x1x128xf32>
      %broadcast_in_dim3A_21 = vector.shape_cast %broadcast_in_dim3A : vector<200x1x128xf32> to vector<200x1x128xf32>
      %broadcast_in_dim3A_22 = vector.broadcast %broadcast_in_dim3A_21 : vector<200x1x128xf32> to vector<200x2x128xf32>
      %reshape3A = vector.shape_cast %broadcast_in_dim3A_22 : vector<200x2x128xf32> to vector<400x128xf32>
      %concatenate3A = tpu.concatenate %reshape3A, %reshape3A, %reshape3A, %reshape3A, %reshape3A, %reshape3A, %reshape3A, %reshape3A, %reshape3A, %reshape3A, %reshape3A, %reshape3A, %reshape3A, %reshape3A in 0 : vector<400x128xf32>, vector<400x128xf32>, vector<400x128xf32>, vector<400x128xf32>, vector<400x128xf32>, vector<400x128xf32>, vector<400x128xf32>, vector<400x128xf32>, vector<400x128xf32>, vector<400x128xf32>, vector<400x128xf32>, vector<400x128xf32>, vector<400x128xf32>, vector<400x128xf32> -> vector<5600x128xf32>
      %slice3A = vector.extract_strided_slice %concatenate3A {offsets = [0, 0], sizes = [5248, 128], strides = [1, 1]} : vector<5600x128xf32> to vector<5248x128xf32>
      %get3A_23 = arith.constant 0 : index
      %get3A_24 = arith.constant 0 : index
      %get3A_25 = vector.load %arg4[%get3A_23, %get3A_24] : memref<13x128xf32, #tpu.memory_space<vmem>>, vector<13x128xf32>
      %broadcast_in_dim3A_26 = vector.shape_cast %get3A_25 : vector<13x128xf32> to vector<13x1x128xf32>
      %broadcast_in_dim3A_27 = vector.shape_cast %broadcast_in_dim3A_26 : vector<13x1x128xf32> to vector<13x1x128xf32>
      %broadcast_in_dim3A_28 = vector.broadcast %broadcast_in_dim3A_27 : vector<13x1x128xf32> to vector<13x400x128xf32>
      %reshape3A_29 = vector.shape_cast %broadcast_in_dim3A_28 : vector<13x400x128xf32> to vector<5200x128xf32>
      %broadcast_in_dim3A_30 = arith.constant 0.000000e+00 : f32
      %broadcast_in_dim3A_31 = vector.broadcast %broadcast_in_dim3A_30 : f32 to vector<48x128xf32>
      %concatenate3A_32 = tpu.concatenate %reshape3A_29, %broadcast_in_dim3A_31 in 0 : vector<5200x128xf32>, vector<48x128xf32> -> vector<5248x128xf32>
      %add3A_33 = arith.addf %slice3A, %concatenate3A_32 : vector<5248x128xf32>
      %iota3A = tpu.iota {dimensions = array<i32: 0>} : vector<5248x128xi32>
      %jit3A = arith.constant 2 : i32
      %eq3A_34 = arith.constant 0 : i32
      %eq3A_35 = arith.cmpi eq, %jit3A, %eq3A_34 : i32
      %jit3A_36 = arith.constant 1 : i32
      %select_n3A = arith.select %eq3A_35, %jit3A_36, %jit3A : i32
      %rem3A = vector.broadcast %select_n3A : i32 to vector<5248x128xi32>
      %rem3A_37 = arith.remsi %iota3A, %rem3A : vector<5248x128xi32>
      %ne3A = arith.constant 0 : i32
      %ne3A_38 = vector.broadcast %ne3A : i32 to vector<5248x128xi32>
      %ne3A_39 = arith.cmpi ne, %rem3A_37, %ne3A_38 : vector<5248x128xi32>
      %lt3A = arith.constant 0 : i32
      %lt3A_40 = vector.broadcast %lt3A : i32 to vector<5248x128xi32>
      %lt3A_41 = arith.cmpi slt, %rem3A_37, %lt3A_40 : vector<5248x128xi32>
      %lt3A_42 = arith.constant 0 : i32
      %lt3A_43 = arith.cmpi slt, %select_n3A, %lt3A_42 : i32
      %ne3A_44 = vector.broadcast %lt3A_43 : i1 to vector<5248x128xi1>
      %ne3A_45 = vector.broadcast %ne3A_44 : vector<5248x128xi1> to vector<5248x128xi1>
      %ne3A_46 = arith.xori %lt3A_41, %ne3A_45 : vector<5248x128xi1>
      %and3A = arith.andi %ne3A_46, %ne3A_39 : vector<5248x128xi1>
      %add3A_47 = vector.broadcast %select_n3A : i32 to vector<5248x128xi32>
      %add3A_48 = arith.addi %rem3A_37, %add3A_47 : vector<5248x128xi32>
      %select_n3A_49 = arith.select %and3A, %add3A_48, %rem3A_37 : vector<5248x128xi1>, vector<5248x128xi32>
      %eq3A_50 = arith.constant 0 : i32
      %eq3A_51 = vector.broadcast %eq3A_50 : i32 to vector<5248x128xi32>
      %eq3A_52 = arith.cmpi eq, %select_n3A_49, %eq3A_51 : vector<5248x128xi32>
      %get3A_53 = arith.constant 0 : index
      %get3A_54 = arith.constant 0 : index
      %get3A_55 = vector.load %arg6[%get3A_53, %get3A_54] : memref<2x128xf32, #tpu.memory_space<vmem>>, vector<1x128xf32>
      %get3A_56 = arith.constant 1 : index
      %get3A_57 = arith.constant 0 : index
      %get3A_58 = vector.load %arg6[%get3A_56, %get3A_57] : memref<2x128xf32, #tpu.memory_space<vmem>>, vector<1x128xf32>
      %broadcast_in_dim3A_59 = vector.shape_cast %get3A_55 : vector<1x128xf32> to vector<1x128xf32>
      %broadcast_in_dim3A_60 = vector.broadcast %broadcast_in_dim3A_59 : vector<1x128xf32> to vector<5248x128xf32>
      %broadcast_in_dim3A_61 = vector.shape_cast %get3A_58 : vector<1x128xf32> to vector<1x128xf32>
      %broadcast_in_dim3A_62 = vector.broadcast %broadcast_in_dim3A_61 : vector<1x128xf32> to vector<5248x128xf32>
      %select_n3A_63 = arith.select %eq3A_52, %broadcast_in_dim3A_60, %broadcast_in_dim3A_62 : vector<5248x128xi1>, vector<5248x128xf32>
      %add3A_64 = arith.addf %add3A_33, %select_n3A_63 : vector<5248x128xf32>
      %reduce_sum3A = arith.constant dense<0.000000e+00> : vector<5248xf32>
      %reduce_sum3A_65 = vector.multi_reduction <add>, %add3A_64, %reduce_sum3A [1] : vector<5248x128xf32> to vector<5248xf32>
      %broadcast_in_dim3A_66 = vector.shape_cast %reduce_sum3A_65 : vector<5248xf32> to vector<5248x1xf32>
      %div3A = arith.constant 1.280000e+02 : f32
      %div3A_67 = vector.broadcast %div3A : f32 to vector<5248x1xf32>
      %div3A_68 = arith.divf %broadcast_in_dim3A_66, %div3A_67 : vector<5248x1xf32>
      %sub3A = vector.broadcast %div3A_68 : vector<5248x1xf32> to vector<5248x128xf32>
      %sub3A_69 = arith.subf %add3A_64, %sub3A : vector<5248x128xf32>
      %mul3A_70 = arith.mulf %sub3A_69, %sub3A_69 : vector<5248x128xf32>
      %reduce_sum3A_71 = arith.constant dense<0.000000e+00> : vector<5248xf32>
      %reduce_sum3A_72 = vector.multi_reduction <add>, %mul3A_70, %reduce_sum3A_71 [1] : vector<5248x128xf32> to vector<5248xf32>
      %broadcast_in_dim3A_73 = vector.shape_cast %reduce_sum3A_72 : vector<5248xf32> to vector<5248x1xf32>
      %div3A_74 = arith.constant 1.280000e+02 : f32
      %div3A_75 = vector.broadcast %div3A_74 : f32 to vector<5248x1xf32>
      %div3A_76 = arith.divf %broadcast_in_dim3A_73, %div3A_75 : vector<5248x1xf32>
      %add3A_77 = arith.constant 9.99999974E-6 : f32
      %add3A_78 = vector.broadcast %add3A_77 : f32 to vector<5248x1xf32>
      %add3A_79 = arith.addf %div3A_76, %add3A_78 : vector<5248x1xf32>
      %rsqrt3A = math.rsqrt %add3A_79 : vector<5248x1xf32>
      %mul3A_80 = vector.broadcast %rsqrt3A : vector<5248x1xf32> to vector<5248x128xf32>
      %mul3A_81 = arith.mulf %sub3A_69, %mul3A_80 : vector<5248x128xf32>
      %get3A_82 = arith.constant 0 : index
      %get3A_83 = arith.constant 0 : index
      %get3A_84 = vector.load %arg7[%get3A_82, %get3A_83] : memref<1x128xf32, #tpu.memory_space<vmem>>, vector<1x128xf32>
      %mul3A_85 = vector.broadcast %get3A_84 : vector<1x128xf32> to vector<5248x128xf32>
      %mul3A_86 = arith.mulf %mul3A_81, %mul3A_85 : vector<5248x128xf32>
      %get3A_87 = arith.constant 0 : index
      %get3A_88 = arith.constant 0 : index
      %get3A_89 = vector.load %arg8[%get3A_87, %get3A_88] : memref<1x128xf32, #tpu.memory_space<vmem>>, vector<1x128xf32>
      %add3A_90 = vector.broadcast %get3A_89 : vector<1x128xf32> to vector<5248x128xf32>
      %add3A_91 = arith.addf %mul3A_86, %add3A_90 : vector<5248x128xf32>
      %swap3A_92 = arith.constant 0 : index
      %swap3A_93 = arith.constant 0 : index
      %swap3A_94 = vector.load %arg10[%swap3A_92, %swap3A_93] : memref<5248x128xf32, #tpu.memory_space<vmem>>, vector<5248x128xf32>
      tpu.vector_store %arg10[%swap3A_92, %swap3A_93], %add3A_91 {strides = array<i32>} : memref<5248x128xf32, #tpu.memory_space<vmem>>, vector<5248x128xf32>,
    } else {
    }
    return
  }
  func.func @transform_0(%arg0: i32) -> (i32, i32) {
    %c0_i32 = arith.constant 0 : i32
    %c0_i32_0 = arith.constant 0 : i32
    return %arg0, %c0_i32 : i32, i32
  }
  func.func @transform_1(%arg0: i32) -> (i32, i32) {
    %c0_i32 = arith.constant 0 : i32
    %c0_i32_0 = arith.constant 0 : i32
    return %arg0, %c0_i32 : i32, i32
  }
  func.func @transform_2(%arg0: i32) -> (i32, i32) {
    %c0_i32 = arith.constant 0 : i32
    %c0_i32_0 = arith.constant 0 : i32
    return %arg0, %c0_i32 : i32, i32
  }
  func.func @transform_3(%arg0: i32) -> (i32, i32) {
    %c0_i32 = arith.constant 0 : i32
    %c0_i32_0 = arith.constant 0 : i32
    %c0_i32_1 = arith.constant 0 : i32
    return %c0_i32, %c0_i32_0 : i32, i32
  }
  func.func @transform_4(%arg0: i32) -> (i32, i32) {
    %c0_i32 = arith.constant 0 : i32
    %c0_i32_0 = arith.constant 0 : i32
    %c0_i32_1 = arith.constant 0 : i32
    return %c0_i32, %c0_i32_0 : i32, i32
  }
  func.func @transform_5(%arg0: i32) -> (i32, i32) {
    %c0_i32 = arith.constant 0 : i32
    %c0_i32_0 = arith.constant 0 : i32
    %c0_i32_1 = arith.constant 0 : i32
    return %c0_i32, %c0_i32_0 : i32, i32
  }
  func.func @transform_6(%arg0: i32) -> (i32, i32) {
    %c0_i32 = arith.constant 0 : i32
    %c0_i32_0 = arith.constant 0 : i32
    %c0_i32_1 = arith.constant 0 : i32
    return %c0_i32, %c0_i32_0 : i32, i32
  }
  func.func @transform_7(%arg0: i32) -> (i32, i32) {
    %c0_i32 = arith.constant 0 : i32
    %c0_i32_0 = arith.constant 0 : i32
    %c0_i32_1 = arith.constant 0 : i32
    return %c0_i32, %c0_i32_0 : i32, i32
  }
  func.func @transform_8(%arg0: i32) -> (i32, i32) {
    %c0_i32 = arith.constant 0 : i32
    %c0_i32_0 = arith.constant 0 : i32
    return %arg0, %c0_i32 : i32, i32
  }
  func.func @transform_9(%arg0: i32) -> (i32, i32) {
    %c0_i32 = arith.constant 0 : i32
    %c0_i32_0 = arith.constant 0 : i32
    %c0_i32_1 = arith.constant 0 : i32
    return %c0_i32, %c0_i32_0 : i32, i32
  }
}

</mosaic_0001>

<sc_bundles>
// kernel: kernel.4.cloned.1.call-start
scs
__scs_entry_jumppad:
0x0: {  	(pc) =	sbr.rel $0x88, $3  }
0x1: {  	(tag) =	ssettag $0x0;
	lr =	simm.s32 $0x1  }
0x2: {  	[smem:$0x3F99] =	sst lr;
	_ =	strace $0xD0000000  }
0x3: {  	_ = 	snop  }
0x4: {  	_ = 	snop  }
0x5: {  	_ = 	snop  }
0x6: {  	_ = 	snop  }
0x7: {  	_ = 	snop  }
__scs_overlays_trampoline_lowered:
0x8: {  	[smem:$0x3FA8] =	sst s0  }
0x9: {  	[smem:$0x3FA9] =	sst s1  }
0xa: {  	[smem:$0x3FAA] =	sst s2  }
0xb: {  	[smem:$0x3FAB] =	sst s3  }
0xc: {  	[smem:$0x3FAC] =	sst s4  }
0xd: {  	[smem:$0x3FAD] =	sst s5  }
0xe: {  	[smem:$0x3FAE] =	sst s6  }
0xf: {  	[smem:$0x3FAF] =	sst s7  }
0x10: {  	[smem:$0x3FB0] =	sst s8  }
0x11: {  	[smem:$0x3FB1] =	sst s9;
	s0 =	simm.s32 @!p0 $0x0  }
0x12: {  	s1 =	sld [smem:$0x3F97];
	s0 =	simm.s32 @p0 $0x1  }
0x13: {  	[smem:$0x3FB2] =	sst s0;
	s0 =	simm.s32 @!p1 $0x0  }
0x14: {  	s2 =	sld [smem:$0x3F96];
	s0 =	simm.s32 @p1 $0x1  }
0x15: {  	[smem:$0x3FB3] =	sst s0;
	s0 =	simm.s32 @!p2 $0x0  }
0x16: {  	s3 =	sld [smem:$0x3FDB];
	s0 =	simm.s32 @p2 $0x1  }
0x17: {  	s4 =	simm.s32 $0x1BF5;
	[smem:$0x3FB5] =	sst s0  }
0x18: {  	s0 =	sld [smem:$0x3F98];
	_ =	swait.ge [sflag:s4], $0x0  }
0x19: {  	s7 =	sld [smem:$0x3F99]  }
0x1a: {  	s8 =	sadd.s32 $0xFFFFE003, lr  }
0x1b: {  	s9 =	sadd.s32 $0xFFFFFEF7, lr;
	s5 =	simm.s32 $0xFFFFFFFF;
	p2 =	slt.u32 s8, $0xFFFFF086  }
0x1c: {  	p1 =	slt.u32 s9, $0xF7A;
	s5 =	simm.s32 @!p2 $0x0  }
0x1d: {  	s5 =	simm.s32 @p1 $0x1;
	p0 =	seq.s32 s7, s2  }
0x1e: {  	s7 =	smul.u32 @!p0 $0xF7A, s2;
	p2 =	seq.s32 @!p0 s5, $0x0  }
0x1f: {  	s9 =	smul.u32 $0xF7A, s1;
	s8 =	simm.s32 @!p0 $0x1BF5;
	p2 =	por !p2, p0  }
0x20: {  	[sflag:s8] =	ssyncset.s32 @!p0 $0xFFFFF086;
	s6 =	sadd.s32 @!p0 s3, s7;
	s7 =	simm.s32 @!p0 $0x108  }
0x21: {  	s3 =	sadd.s32 s3, s9;
	s6 =	sadd.s32 @!p0 $0x88, s6;
	s7 =	simm.s32 @p2 $0x1082  }
0x22: {  	[simem:s7], [sflag:s8] =	dma.local @!p0 [hbm:s6], $0xF7A  }
0x23: {  	s9 =	sor.u32 $0xD0000000, s2;
	s6 =	simm.s32 $0x108;
	_ =	swait.ge @!p0 [sflag:s8], $0x0  }
0x24: {  	s3 =	sadd.s32 $0x88, s3;
	s6 =	simm.s32 @!p1 $0x1082;
	[sflag:s4] =	ssyncset.s32 $0xFFFFF086  }
0x25: {  	[simem:s6], [sflag:s4] =	dma.local [hbm:s3], $0xF7A  }
0x26: {  	[smem:$0x3F99] =	sst s1;
	(tag) =	ssettag s2;
	_ =	strace s9  }
0x27: {  	s1 =	sld [smem:$0x3FA9]  }
0x28: {  	s2 =	sld [smem:$0x3FAA]  }
0x29: {  	s4 =	sld [smem:$0x3FAC]  }
0x2a: {  	p0 =	seq.s32 s5, $0x0;
	s5 =	sld [smem:$0x3FAD]  }
0x2b: {  	s6 =	sld [smem:$0x3FAE]  }
0x2c: {  	s7 =	sld [smem:$0x3FAF]  }
0x2d: {  	s3 =	simm.s32 $0x108;
	s8 =	sld [smem:$0x3FB0]  }
0x2e: {  	s3 =	simm.s32 @!p0 $0x1082;
	s9 =	sld [smem:$0x3FB1]  }
0x2f: {  	lr =	sadd.s32 s0, s3;
	s0 =	sld [smem:$0x3FA8]  }
0x30: {  	s3 =	sld [smem:$0x3FAB]  }
0x31: {  	[smem:$0x3FB4] =	sst s10  }
0x32: {  	s10 =	sld [smem:$0x3FB2];
	_ =	sdelay $0x3  }
0x33: {  	p0 =	seq.s32 s10, $0x1;
	s10 =	sld [smem:$0x3FB4];
	_ =	sdelay $0x3  }
0x34: {  	[smem:$0x3FB4] =	sst s10  }
0x35: {  	s10 =	sld [smem:$0x3FB3];
	_ =	sdelay $0x3  }
0x36: {  	p1 =	seq.s32 s10, $0x1;
	s10 =	sld [smem:$0x3FB4];
	_ =	sdelay $0x3  }
0x37: {  	[smem:$0x3FB4] =	sst s10  }
0x38: {  	s10 =	sld [smem:$0x3FB5]  }
0x39: {  	_ = 	snop;
	(pc) =	sbr.ind lr, $3  }
0x3a: {  	_ = 	snop  }
0x3b: {  	_ = 	snop  }
0x3c: {  	p2 =	seq.s32 s10, $0x1;
	s10 =	sld [smem:$0x3FB4]  }
0x3d: {  	_ =	shalt  }
0x3e: {  	_ =	shalt  }
0x3f: {  	_ =	shalt  }
0x40: {  	_ =	shalt  }
0x41: {  	_ =	shalt  }
0x42: {  	_ =	shalt  }
0x43: {  	_ =	shalt  }
0x44: {  	_ =	shalt  }
0x45: {  	_ =	shalt  }
0x46: {  	_ =	shalt  }
0x47: {  	_ =	shalt  }
0x48: {  	_ =	shalt  }
0x49: {  	_ =	shalt  }
0x4a: {  	_ =	shalt  }
0x4b: {  	_ =	shalt  }
0x4c: {  	_ =	shalt  }
0x4d: {  	_ =	shalt  }
0x4e: {  	_ =	shalt  }
0x4f: {  	_ =	shalt  }
0x50: {  	_ =	shalt  }
0x51: {  	_ =	shalt  }
0x52: {  	_ =	shalt  }
0x53: {  	_ =	shalt  }
0x54: {  	_ =	shalt  }
0x55: {  	_ =	shalt  }
0x56: {  	_ =	shalt  }
0x57: {  	_ =	shalt  }
0x58: {  	_ =	shalt  }
0x59: {  	_ =	shalt  }
0x5a: {  	_ =	shalt  }
0x5b: {  	_ =	shalt  }
0x5c: {  	_ =	shalt  }
0x5d: {  	_ =	shalt  }
0x5e: {  	_ =	shalt  }
0x5f: {  	_ =	shalt  }
0x60: {  	_ =	shalt  }
0x61: {  	_ =	shalt  }
0x62: {  	_ =	shalt  }
0x63: {  	_ =	shalt  }
0x64: {  	_ =	shalt  }
0x65: {  	_ =	shalt  }
0x66: {  	_ =	shalt  }
0x67: {  	_ =	shalt  }
0x68: {  	_ =	shalt  }
0x69: {  	_ =	shalt  }
0x6a: {  	_ =	shalt  }
0x6b: {  	_ =	shalt  }
0x6c: {  	_ =	shalt  }
0x6d: {  	_ =	shalt  }
0x6e: {  	_ =	shalt  }
0x6f: {  	_ =	shalt  }
0x70: {  	_ =	shalt  }
0x71: {  	_ =	shalt  }
0x72: {  	_ =	shalt  }
0x73: {  	_ =	shalt  }
0x74: {  	_ =	shalt  }
0x75: {  	_ =	shalt  }
0x76: {  	_ =	shalt  }
0x77: {  	_ =	shalt  }
0x78: {  	_ =	shalt  }
0x79: {  	_ =	shalt  }
0x7a: {  	_ =	shalt  }
0x7b: {  	_ =	shalt  }
0x7c: {  	_ =	shalt  }
0x7d: {  	_ =	shalt  }
0x7e: {  	_ =	shalt  }
0x7f: {  	_ =	shalt  }
0x80: {  	_ =	shalt  }
0x81: {  	_ =	shalt  }
0x82: {  	_ =	shalt  }
0x83: {  	_ =	shalt  }
0x84: {  	_ =	shalt  }
0x85: {  	_ =	shalt  }
0x86: {  	_ =	shalt  }
0x87: {  	_ =	shalt  }
.Lfunc_end0:
.L_simem_size_0:
called_computation_lowered:
.L_overlay_start_0:
0x88: {  	s2 =	sld [smem:$0x3FD9]  }
0x89: {  	s3 =	sld [smem:$0x3FFE];
	_ =	sdelay $0x1  }
0x8a: {  	s1 =	srdreg.scid  }
0x8b: {  	s0 =	sand.u32 $0x1, s1  }
0x8c: {  	s17 =	sshll.u32 s0, $0xA;
	s2 =	sadd.s32 s3, s2  }
0x8d: {  	s2 =	sadd.s32 s2, s17  }
0x8e: {  	[smem:$0x3FC0] =	sst s2  }
0x8f: {  	_ = 	snop  }
0x90: {  	s2 =	sld [smem:$0x3FD0];
	(tm) =	ssettm $0x1  }
0x91: {  	s18 =	sld [smem:$0x3FFB];
	_ =	sdelay $0x3  }
0x92: {  	_ =	strace s18  }
0x93: {  	s3 =	sld [smem:$0x3FFC];
	_ =	sdelay $0x3  }
0x94: {  	_ =	strace s3  }
0x95: {  	s3 =	sld [smem:$0x3FFD];
	_ =	sdelay $0x3  }
0x96: {  	_ =	strace s3  }
0x97: {  	_ =	strace $0x8FFFFFFF  }
0x98: {  	s19 =	sld [smem:$0x3FDB];
	_ =	sdelay $0x1  }
0x99: {  	s4 =	simm.s32 $_scs_section_size  }
0x9a: {  	s5 =	simm.s32 $_size__tile_overlayer_lowered;
	s6 =	simm.s32 $_tile_overlayer_lowered  }
0x9b: {  	s22 =	simm.s32 $0x1BFF;
	s21 =	sshll.u32 s6, $0x1;
	s3 =	sadd.s32 s4, s19  }
0x9c: {  	s7 =	simm.s32 $0x0;
	s20 =	sshll.u32 s5, $0x1;
	s5 =	sadd.s32 s21, s3  }
0x9d: {  	[timem:s7], [sflag:s22] =	dma.local [hbm:s5], s20  }
0x9e: {  	_ =	swait.ge [sflag:s22], s20  }
0x9f: {  	s4 =	ssub.s32 $0x0, s20;
	[sflag:s22] =	ssyncset.done $0x0  }
0xa0: {  	[sflag:s22] =	ssyncadd.s32 s4;
	_ =	sdelay $0x1  }
0xa1: {  	s23 =	simm.s32 $0x1B8B  }
0xa2: {  	_ =	swait.ge [sflag:s23], $0x1  }
0xa3: {  	[sflag:s23] =	ssyncset.done $0x0  }
0xa4: {  	s25 =	simm.s32 $0x1B8E;
	s24 =	sld [smem:$0x3FFE];
	[sflag:s23] =	ssyncadd.s32 $0xFFFFFFFF  }
0xa5: {  	s26 =	simm.s32 $execute0_lowered;
	[smem:$0x3FD2] =	sst s25  }
0xa6: {  	s5 =	sshll.u32 s26, $0x1;
	_ =	strace $0x80000046;
	[dreg:$0x1] =	wrdreg $0xFFFFFFFF  }
0xa7: {  	s28 =	simm.s32 $_size_execute0_lowered;
	s3 =	sadd.s32 s3, s5;
	[dreg:$0x0] =	wrdreg $0x0  }
0xa8: {  	s5 =	sshll.u32 s28, $0x1;
	[dreg:$0x2] =	wrdreg s3  }
0xa9: {  	[dreg:$0x3] =	wrdreg s5  }
0xaa: {  	[dreg:$0x4] =	wrdreg $0xC0  }
0xab: {  	_ =	task [dreg:s7], $0x5FFFF  }
0xac: {  	[dreg:$0x1] =	wrdreg $0xFFFFFFFF  }
0xad: {  	[dreg:$0x0] =	wrdreg $0x60  }
0xae: {  	[dreg:$0x2] =	wrdreg s24  }
0xaf: {  	[dreg:$0x3] =	wrdreg s2  }
0xb0: {  	[dreg:$0x4] =	wrdreg $0x124000  }
0xb1: {  	[dreg:$0x5] =	wrdreg $0x9  }
0xb2: {  	_ =	task.clear_ibuf [dreg:s7], $0x6FFFF;
	_ =	strace $0x90000046  }
0xb3: {  	s29 =	simm.s32 $0x9;
	_ =	strace $0x80000048  }
0xb4: {  	_ =	swait.ge [sflag:s29], $0x1  }
0xb5: {  	[sflag:s29] =	ssyncadd.s32 $0xFFFFFFFF  }
0xb6: {  	_ =	strace $0x90000048  }
0xb7: {  	_ =	sfence  }
0xb8: {  	s30 =	sld [smem:$0x0];
	_ =	sdelay $0x2  }
0xb9: {  	s31 =	sshll.u32 s1, $0xD;
	s1 =	sshrl.u32 s1, $0x2  }
0xba: {  	s3 =	sand.u32 $0x4000, s31;
	s1 =	sadd.s32 s1, s30  }
0xbb: {  	s0 =	sor.u32 s3, s0;
	s1 =	sshll.u32 s1, $0x11  }
0xbc: {  	s0 =	sor.u32 s1, s0  }
0xbd: {  	s0 =	sadd.s32 $0x8F2B, s0  }
0xbe: {  	[sflag:s0] =	ssyncadd.remote.s32 $0x1  }
0xbf: {  	_ =	sfence.sel $0xFFFF  }
0xc0: {  	[dreg:$0x0] =	wrdreg $0xFFFFFFFF;
	(pc) =	sbr.abs _section_cstart, $3  }
0xc1: {  	[dreg:$0x1] =	wrdreg $0xFFFFFFFF  }
0xc2: {  	_ =	task.clear_ibuf [dreg:s7], $0x2FFFF;
	_ =	strace $0x9FFFFFFF  }
0xc3: {  	(tm) =	ssettm $0x7FFFFFFF  }
tec
execute0_lowered:
.L_overlay_start_1:
0x0: {  	(tag) =	ssettag $0x1  }
0x1: {  	s0 =	rddreg [dreg:$0x0];
	s1 =	srdreg.scid  }
0x2: {  	s11 =	stileid.u32;
	s10 =	rddreg [dreg:$0x1]  }
0x3: {  	s2 =	rddreg [dreg:$0x2];
	s15 =	simm.s32 $0x7;
	s16 =	simm.s32 $0x1  }
0x4: {  	s17 =	simm.s32 $0x80;
	s18 =	simm.s32 $0x6400;
	s19 =	simm.s32 $0xA400  }
0x5: {  	s21 =	simm.s32 $0xE400;
	s22 =	simm.s32 $0x2;
	s5 =	smul.u32 $0x1480, s11  }
0x6: {  	s29 =	simm.s32 $0x6380;
	s30 =	simm.s32 $0x0;
	s8 =	smul.u32 $0x29000, s11  }
0x7: {  	s1 =	sand.u32 $0x1, s1;
	s3 =	sshll.u32 s11, $0x1;
	s28 =	smul.u32 $0xC8000, s11  }
0x8: {  	s6 =	sor.u32 s1, s3;
	s7 =	ssub.s32 $0x2, s1;
	s1 =	smul.u32 $0x64000, s1  }
0x9: {  	s25 =	sshll.u32 s11, $0x6;
	s3 =	simm.s32 $0x0;
	s4 =	smul.u32 $0x6400, s6  }
0xa: {  	[smem:$0x7FF] =	sst s3;
	s9 =	sshrl.u32 s7, $0x1;
	s24 =	smul.u32 $0x64000, s6  }
0xb: {  	s23 =	sshrl.u32 s8, $0x2;
	s26 =	smul.u32 $0x320000, s6;
	s6 =	sor.u32 $0x1C07, s25  }
0xc: {  	s25 =	simm.s32 $0x5;
	_ =	strace $0x80000047;
	s12 =	ssub.s32 s7, s9  }
0xd: {  	s13 =	sadd.s32 s23, s2;
	s23 =	simm.s32 $0x3;
	s4 =	sshrl.u32 s4, $0x3  }
0xe: {  	s7 =	sadd.s32 s10, s24;
	s31 =	sshrl.u32 s26, $0x3;
	s12 =	smax.u32 s12, $0x1  }
0xf: {  	s14 =	sshrl.u32 s13, $0x3;
	s24 =	simm.s32 $0x4;
	s26 =	simm.s32 $0x6  }
0x10: {  	s4 =	sadd.s32 s4, s0;
	s0 =	sadd.s32 s5, s0;
	s8 =	sadd.s32 $0x800, s7  }
0x11: {  	s9 =	sadd.s32 $0x1000, s7;
	s5 =	sadd.s32 $0x1600, s0;
	s0 =	sadd.s32 s28, s10  }
0x12: {  	s11 =	sadd.s32 s10, s31;
	s4 =	sadd.s32 $0x15E00, s4;
	s0 =	sadd.s32 s1, s0  }
0x13: {  	s10 =	sadd.s32 $0x63000, s11;
	s11 =	sadd.s32 $0x63800, s11;
	s0 =	sadd.s32 $0x2800, s0  }
.LBB2_1:
0x14: {  	[tilespmem:s3], [sflag:$0x1] =	stream.linear.gather [hbm4b:s4+s3], $0x6400, $0x38;
	[tilespmem:$0x1C800] =	vst v63  }
0x15: {  	[spmem:s14], [sflag:s6] =	dma.local [hbm:s5], $0x1480  }
0x16: {  	_ =	swait.ge [sflag:s15], $0x1480  }
0x17: {  	[sflag:s15] =	ssyncset.done $0x0  }
0x18: {  	[sflag:s15] =	ssyncadd.s32 $0xFFFFEB80  }
0x19: {  	_ =	swait.ge [sflag:s16], $0x6400  }
0x1a: {  	[sflag:s16] =	ssyncset.done $0x0  }
0x1b: {  	[sflag:s16] =	ssyncadd.s32 $0xFFFF9C00  }
0x1c: {  	[bflag:$0x0] =	sbarrier.arrive $0xFFFF  }
0x1d: {  	[tilespmem:s18], [sflag:$0x1] =	stream.indirect.gather [spmem:s2], $0x80, s3, s17, $0xb8;
	[tilespmem:$0x1C800] =	vst v63  }
0x1e: {  	_ = 	snop  }
0x1f: {  	[tilespmem:s19], [sflag:$0x2] =	stream.indirect.gather [spmem:s2], $0x80, s17, s17, $0xb8;
	[tilespmem:$0x1C800] =	vst v63  }
0x20: {  	s1 =	simm.s32 $0x100  }
0x21: {  	[tilespmem:s21], [sflag:$0x3] =	stream.indirect.gather [spmem:s2], $0x80, s1, s17, $0xb8;
	[tilespmem:$0x1C800] =	vst v63  }
0x22: {  	_ =	swait.ge [sflag:s16], $0x4000  }
0x23: {  	[sflag:s16] =	ssyncset.done $0x0  }
0x24: {  	[sflag:s16] =	ssyncadd.s32 $0xFFFFC000  }
0x25: {  	[hbm4b:s7+s3] =	stream.linear.scatter [tilespmem:s18], [sflag:$0x4], $0x4000, $0x38;
	[tilespmem:$0x1C800] =	vst v63  }
0x26: {  	_ =	swait.ge [sflag:s22], $0x4000  }
0x27: {  	[sflag:s22] =	ssyncset.done $0x0  }
0x28: {  	[sflag:s22] =	ssyncadd.s32 $0xFFFFC000  }
0x29: {  	[hbm4b:s8+s3] =	stream.linear.scatter [tilespmem:s19], [sflag:$0x5], $0x4000, $0x38;
	[tilespmem:$0x1C800] =	vst v63  }
0x2a: {  	_ =	swait.ge [sflag:s23], $0x4000  }
0x2b: {  	[sflag:s23] =	ssyncset.done $0x0  }
0x2c: {  	[sflag:s23] =	ssyncadd.s32 $0xFFFFC000  }
0x2d: {  	[hbm4b:s9+s3] =	stream.linear.scatter [tilespmem:s21], [sflag:$0x6], $0x4000, $0x38;
	[tilespmem:$0x1C800] =	vst v63  }
0x2e: {  	_ =	swait.ge [sflag:s24], $0x4000  }
0x2f: {  	[sflag:s24] =	ssyncset.done $0x0  }
0x30: {  	s20 =	simm.s32 $0x180;
	[sflag:s24] =	ssyncadd.s32 $0xFFFFC000  }
0x31: {  	[tilespmem:s18], [sflag:$0x1] =	stream.indirect.gather [spmem:s2], $0x80, s20, s17, $0xb8;
	[tilespmem:$0x1C800] =	vst v63  }
0x32: {  	_ =	swait.ge [sflag:s25], $0x4000  }
0x33: {  	[sflag:s25] =	ssyncset.done $0x0  }
0x34: {  	s28 =	simm.s32 $0x200;
	[sflag:s25] =	ssyncadd.s32 $0xFFFFC000  }
0x35: {  	[tilespmem:s19], [sflag:$0x2] =	stream.indirect.gather [spmem:s2], $0x80, s28, s17, $0xb8;
	[tilespmem:$0x1C800] =	vst v63  }
0x36: {  	_ =	swait.ge [sflag:s26], $0x4000  }
0x37: {  	[sflag:s26] =	ssyncset.done $0x0  }
0x38: {  	s13 =	simm.s32 $0x280;
	[sflag:s26] =	ssyncadd.s32 $0xFFFFC000  }
0x39: {  	[tilespmem:s21], [sflag:$0x3] =	stream.indirect.gather [spmem:s2], $0x80, s13, s17, $0xb8;
	[tilespmem:$0x1C800] =	vst v63  }
0x3a: {  	_ =	swait.ge [sflag:s16], $0x4000  }
0x3b: {  	[sflag:s16] =	ssyncset.done $0x0  }
0x3c: {  	s20 =	sadd.s32 $0xFFFFF000, s0;
	[sflag:s16] =	ssyncadd.s32 $0xFFFFC000  }
0x3d: {  	[hbm4b:s20+s3] =	stream.linear.scatter [tilespmem:s18], [sflag:$0x4], $0x4000, $0x38;
	[tilespmem:$0x1C800] =	vst v63  }
0x3e: {  	_ =	swait.ge [sflag:s22], $0x4000  }
0x3f: {  	[sflag:s22] =	ssyncset.done $0x0  }
0x40: {  	s28 =	sadd.s32 $0xFFFFF800, s0;
	[sflag:s22] =	ssyncadd.s32 $0xFFFFC000  }
0x41: {  	[hbm4b:s28+s3] =	stream.linear.scatter [tilespmem:s19], [sflag:$0x5], $0x4000, $0x38;
	[tilespmem:$0x1C800] =	vst v63  }
0x42: {  	_ =	swait.ge [sflag:s23], $0x4000  }
0x43: {  	s31 =	simm.s32 $0x600;
	[sflag:s23] =	ssyncset.done $0x0  }
0x44: {  	s1 =	sadd.s32 $0x1800, s0;
	s13 =	smov.u32 s0;
	[sflag:s23] =	ssyncadd.s32 $0xFFFFC000  }
.LBB2_2:
0x45: {  	[hbm4b:s13+s3] =	stream.linear.scatter [tilespmem:s21], [sflag:$0x6], $0x4000, $0x38;
	[tilespmem:$0x1C800] =	vst v63  }
0x46: {  	s20 =	smov.u32 s31;
	s13 =	smov.u32 s1  }
0x47: {  	p0 =	sne.s32 s31, $0x18000;
	s31 =	sadd.s32 $0x600, s31;
	_ =	swait.ge [sflag:s24], $0x4000  }
0x48: {  	s20 =	sshra.s32 s20, $0x2;
	[sflag:s24] =	ssyncset.done $0x0  }
0x49: {  	s28 =	sadd.s32 $0x180, s20;
	[sflag:s24] =	ssyncadd.s32 $0xFFFFC000  }
0x4a: {  	[tilespmem:s18], [sflag:$0x1] =	stream.indirect.gather [spmem:s2], $0x80, s28, s17, $0xb8;
	[tilespmem:$0x1C800] =	vst v63  }
0x4b: {  	_ =	swait.ge [sflag:s25], $0x4000  }
0x4c: {  	[sflag:s25] =	ssyncset.done $0x0  }
0x4d: {  	s28 =	sadd.s32 $0x200, s20;
	[sflag:s25] =	ssyncadd.s32 $0xFFFFC000  }
0x4e: {  	[tilespmem:s19], [sflag:$0x2] =	stream.indirect.gather [spmem:s2], $0x80, s28, s17, $0xb8;
	[tilespmem:$0x1C800] =	vst v63  }
0x4f: {  	_ =	swait.ge [sflag:s26], $0x4000  }
0x50: {  	[sflag:s26] =	ssyncset.done $0x0  }
0x51: {  	s20 =	sadd.s32 $0x280, s20;
	[sflag:s26] =	ssyncadd.s32 $0xFFFFC000  }
0x52: {  	[tilespmem:s21], [sflag:$0x3] =	stream.indirect.gather [spmem:s2], $0x80, s20, s17, $0xb8;
	[tilespmem:$0x1C800] =	vst v63  }
0x53: {  	_ =	swait.ge [sflag:s16], $0x4000  }
0x54: {  	[sflag:s16] =	ssyncset.done $0x0  }
0x55: {  	s20 =	sadd.s32 $0xFFFFF000, s1;
	[sflag:s16] =	ssyncadd.s32 $0xFFFFC000  }
0x56: {  	[hbm4b:s20+s3] =	stream.linear.scatter [tilespmem:s18], [sflag:$0x4], $0x4000, $0x38;
	[tilespmem:$0x1C800] =	vst v63  }
0x57: {  	_ =	swait.ge [sflag:s22], $0x4000  }
0x58: {  	[sflag:s22] =	ssyncset.done $0x0  }
.Ltmp0:
0x59: {  	s20 =	sadd.s32 $0xFFFFF800, s1;
	[sflag:s22] =	ssyncadd.s32 $0xFFFFC000;
	(pc) =	sbr.rel @p0 .LBB2_2-.Ltmp0, $4  }
0x5a: {  	[hbm4b:s20+s3] =	stream.linear.scatter [tilespmem:s19], [sflag:$0x5], $0x4000, $0x38;
	[tilespmem:$0x1C800] =	vst v63  }
0x5b: {  	_ =	swait.ge [sflag:s23], $0x4000  }
0x5c: {  	[sflag:s23] =	ssyncset.done $0x0  }
0x5d: {  	s1 =	sadd.s32 $0x1800, s1;
	[sflag:s23] =	ssyncadd.s32 $0xFFFFC000  }
0x5e: {  	[hbm4b:s13+s3] =	stream.linear.scatter [tilespmem:s21], [sflag:$0x6], $0x4000, $0x38;
	[tilespmem:$0x1C800] =	vst v63  }
0x5f: {  	_ =	swait.ge [sflag:s24], $0x4000  }
0x60: {  	[sflag:s24] =	ssyncset.done $0x0  }
0x61: {  	s1 =	simm.s32 $0x6300;
	[sflag:s24] =	ssyncadd.s32 $0xFFFFC000  }
0x62: {  	[tilespmem:s18], [sflag:$0x1] =	stream.indirect.gather [spmem:s2], $0x80, s1, s17, $0xb8;
	[tilespmem:$0x1C800] =	vst v63  }
0x63: {  	_ =	swait.ge [sflag:s25], $0x4000  }
0x64: {  	[sflag:s25] =	ssyncset.done $0x0  }
0x65: {  	[sflag:s25] =	ssyncadd.s32 $0xFFFFC000  }
0x66: {  	[tilespmem:s19], [sflag:$0x2] =	stream.indirect.gather [spmem:s2], $0x80, s29, s17, $0xb8;
	[tilespmem:$0x1C800] =	vst v63  }
0x67: {  	_ =	swait.ge [sflag:s16], $0x4000  }
0x68: {  	[sflag:s16] =	ssyncset.done $0x0  }
0x69: {  	[sflag:s16] =	ssyncadd.s32 $0xFFFFC000  }
0x6a: {  	[hbm4b:s10+s3] =	stream.linear.scatter [tilespmem:s18], [sflag:$0x4], $0x4000, $0x38;
	[tilespmem:$0x1C800] =	vst v63  }
0x6b: {  	_ =	swait.ge [sflag:s22], $0x4000  }
0x6c: {  	[sflag:s22] =	ssyncset.done $0x0  }
0x6d: {  	[sflag:s22] =	ssyncadd.s32 $0xFFFFC000  }
0x6e: {  	[hbm4b:s11+s3] =	stream.linear.scatter [tilespmem:s19], [sflag:$0x5], $0x4000, $0x38;
	[tilespmem:$0x1C800] =	vst v63  }
0x6f: {  	_ =	swait.ge [sflag:s24], $0x4000  }
0x70: {  	[sflag:s24] =	ssyncset.done $0x0  }
0x71: {  	s30 =	sadd.s32 $0x1, s30;
	[sflag:s24] =	ssyncadd.s32 $0xFFFFC000  }
0x72: {  	p0 =	sne.s32 s30, s12;
	_ =	swait.ge [sflag:s25], $0x4000  }
.Ltmp1:
0x73: {  	[sflag:s25] =	ssyncset.done $0x0;
	(pc) =	sbr.rel @p0 .LBB2_1-.Ltmp1, $4  }
0x74: {  	[sflag:s25] =	ssyncadd.s32 $0xFFFFC000  }
0x75: {  	_ =	swait.ge [sflag:s26], $0x4000  }
0x76: {  	[sflag:s26] =	ssyncset.done $0x0  }
0x77: {  	[sflag:s26] =	ssyncadd.s32 $0xFFFFC000  }
0x78: {  	_ =	sfence.sel $0x180000  }
0x79: {  	[bflag:$0x0] =	sbarrier.arrive $0xFFFF  }
0x7a: {  	_ =	strace $0x90000047  }
0x7b: {  	s0 =	stileid.u32;
	[bflag:$0x2] =	sbarrier.arrive $0xFFFF  }
0x7c: {  	p0 =	sne.s32 s0, $0x0;
	s0 =	rddreg [dreg:$0x3]  }
0x7d: {  	s0 =	sadd.s32 @!p0 $0x100000, s0  }
0x7e: {  	[sflag:s0] =	ssyncadd.tile.s32 @!p0 $0x1;
	_ =	shalt  }
.Lfunc_end2:
_tile_overlayer_lowered:
.L_overlay_start_2:
0x7f: {  	(tag) =	ssettag $0x2  }
0x80: {  	s0 =	rddreg [dreg:$0x0];
	s2 =	stileid.u32  }
0x81: {  	s1 =	rddreg [dreg:$0x1];
	p0 =	sne.s32 s2, $0x0  }
0x82: {  	s3 =	rddreg [dreg:$0x2];
	[bflag:$0x3] =	sbarrier.arrive $0xFFFF;
	s2 =	simm.s32 @!p0 $0x1C07  }
0x83: {  	[timem:s3], [sflag:s2] =	dma.local @!p0 [hbm:s0], s1  }
0x84: {  	s0 =	simm.s32 @!p0 $0x7  }
0x85: {  	_ =	swait.ge @!p0 [sflag:s0], s1  }
0x86: {  	s1 =	ssub.s32 @!p0 $0x0, s1;
	[sflag:s0] =	ssyncset.done @!p0 $0x0  }
0x87: {  	[sflag:s0] =	ssyncadd.s32 @!p0 s1  }
0x88: {  	[bflag:$0x3] =	sbarrier.arrive $0xFFFF  }
0x89: {  	_ =	shalt  }

</sc_bundles>
